<compile_context>
chip_gen: v7x
topology: tpu7x:2x2x1
jax: 0.10.2.dev20260603
libtpu: 0.0.44.dev20260713+nightly
codegen_flags: <defaults>
</compile_context>

<pallas_src>
import functools

import jax
import jax.numpy as jnp
from jax import lax
from jax.experimental import pallas as pl
from jax.experimental.pallas import tpu as pltpu
from jax.experimental.pallas import tpu_sc as plsc

VOCAB_N = 100000
EMB_N = 300
HID_N = 64
NCLS_N = 10
B_N = 1024
S_N = 200
W_N = 128


_PROJ_ROWS = 4096


def _proj_body(embt_ref, wx_ref, b_ref, out_ref):
    out_ref[...] = (
        lax.dot_general(
            embt_ref[...], wx_ref[...], (((0,), (0,)), ((), ())),
            preferred_element_type=jnp.float32,
        )
        + b_ref[...]
    )


def _project_table(embT, Wx_pad, b_pad):
    grid = (VOCAB_N + _PROJ_ROWS - 1) // _PROJ_ROWS
    v_pad = grid * _PROJ_ROWS
    return pl.pallas_call(
        _proj_body,
        grid=(grid,),
        in_specs=[
            pl.BlockSpec((EMB_N, _PROJ_ROWS), lambda i: (0, i)),
            pl.BlockSpec((EMB_N, W_N), lambda i: (0, 0)),
            pl.BlockSpec((1, W_N), lambda i: (0, 0)),
        ],
        out_specs=pl.BlockSpec((_PROJ_ROWS, W_N), lambda i: (i, 0)),
        out_shape=jax.ShapeDtypeStruct((v_pad, W_N), jnp.float32),
    )(embT, Wx_pad, b_pad)



def _make_gather(n_rows, chunk):
    info = plsc.get_sparse_core_info()
    nc, ns = info.num_cores, info.num_subcores
    nw = nc * ns
    per_w = n_rows // nw
    n_chunks = per_w // chunk
    assert per_w % chunk == 0 and chunk % 8 == 0

    mesh = plsc.VectorSubcoreMesh(core_axis_name="c", subcore_axis_name="s")

    @functools.partial(
        pl.kernel,
        mesh=mesh,
        out_type=jax.ShapeDtypeStruct((n_rows, W_N), jnp.float32),
        scratch_types=[
            pltpu.VMEM((chunk,), jnp.int32),
            pltpu.VMEM((chunk, W_N), jnp.float32),
            pltpu.SemaphoreType.DMA,
        ],
    )
    def gather_kernel(idx_hbm, table_hbm, out_hbm, idx_v, rows_v, sem):
        wid = lax.axis_index("s") * nc + lax.axis_index("c")
        base = wid * per_w
        for j in range(n_chunks):
            off = base + j * chunk
            pltpu.sync_copy(idx_hbm.at[pl.ds(off, chunk)], idx_v)
            pltpu.async_copy(table_hbm.at[idx_v], rows_v, sem).wait()
            pltpu.sync_copy(rows_v, out_hbm.at[pl.ds(off, chunk)])

    return gather_kernel



_B_BLK = 1024
_T_BLK = 8


def _rnn_body(x_ref, wh_ref, wdt_ref, bdt_ref, h0_ref, out_ref, hout_ref, h_ref, hs_ref):
    t_blk = pl.program_id(1)

    @pl.when(t_blk == 0)
    def _init():
        h_ref[...] = h0_ref[...]

    wh = wh_ref[...]
    half = _B_BLK // 2

    def step(i, carry):
        h1, h2 = carry
        u = x_ref[i]
        h1 = jnp.tanh(u[:half] + jnp.dot(h1, wh, preferred_element_type=jnp.float32))
        h2 = jnp.tanh(u[half:] + jnp.dot(h2, wh, preferred_element_type=jnp.float32))
        hs_ref[pl.ds(i, 1), pl.ds(0, half), :] = h1[None]
        hs_ref[pl.ds(i, 1), pl.ds(half, half), :] = h2[None]
        return h1, h2

    h1, h2 = lax.fori_loop(
        0, _T_BLK, step, (h_ref[:half], h_ref[half:])
    )
    h_ref[:half] = h1
    h_ref[half:] = h2

    hs = hs_ref[...].reshape(_T_BLK * _B_BLK, W_N)
    logits_t = lax.dot_general(
        wdt_ref[...], hs, (((1,), (1,)), ((), ())),
        preferred_element_type=jnp.float32,
    )
    logits_t = logits_t + bdt_ref[...]
    row = lax.broadcasted_iota(jnp.int32, (16, _T_BLK * _B_BLK), 0)
    e = jnp.where(row < NCLS_N, jnp.exp(logits_t), 0.0)
    p = e * (1.0 / jnp.sum(e, axis=0, keepdims=True))
    out_ref[...] = p[:NCLS_N].reshape(NCLS_N, _T_BLK, _B_BLK)
    hout_ref[...] = h_ref[...]


def _run_rnn(x_t, Wh_pad, WdT, bdT, h0):
    s_len = x_t.shape[0]
    nb = B_N // _B_BLK
    nt = s_len // _T_BLK
    return pl.pallas_call(
        _rnn_body,
        grid=(nb, nt),
        in_specs=[
            pl.BlockSpec((_T_BLK, _B_BLK, W_N), lambda b, t: (t, b, 0)),
            pl.BlockSpec((W_N, W_N), lambda b, t: (0, 0)),
            pl.BlockSpec((16, W_N), lambda b, t: (0, 0)),
            pl.BlockSpec((16, 1), lambda b, t: (0, 0)),
            pl.BlockSpec((_B_BLK, W_N), lambda b, t: (b, 0)),
        ],
        out_specs=[
            pl.BlockSpec((NCLS_N, _T_BLK, _B_BLK), lambda b, t: (0, t, b)),
            pl.BlockSpec((_B_BLK, W_N), lambda b, t: (b, 0)),
        ],
        out_shape=[
            jax.ShapeDtypeStruct((NCLS_N, s_len, B_N), jnp.float32),
            jax.ShapeDtypeStruct((B_N, W_N), jnp.float32),
        ],
        scratch_shapes=[
            pltpu.VMEM((_B_BLK, W_N), jnp.float32),
            pltpu.VMEM((_T_BLK, _B_BLK, W_N), jnp.float32),
        ],
    )(x_t, Wh_pad, WdT, bdT, h0)




def kernel(input_tensor, emb_table, Wx, Wh, b_rnn, Wd, bd):
    tokens = input_tensor.astype(jnp.int32)
    b, s = tokens.shape

    Wx_pad = jnp.zeros((EMB_N, W_N), jnp.float32).at[:, :HID_N].set(Wx)
    b_pad = jnp.zeros((1, W_N), jnp.float32).at[:, :HID_N].set(b_rnn)
    Wh_pad = jnp.zeros((W_N, W_N), jnp.float32).at[:HID_N, :HID_N].set(Wh)
    WdT = jnp.zeros((16, W_N), jnp.float32).at[:NCLS_N, :HID_N].set(Wd.T)
    bdT = jnp.zeros((16, 1), jnp.float32).at[:NCLS_N, 0].set(bd)

    P = _project_table(emb_table.T, Wx_pad, b_pad)

    idx = jnp.swapaxes(tokens, 0, 1).reshape(-1)

    s_a = 104
    idx_a, idx_b = idx[: s_a * b], idx[s_a * b:]
    xa = _make_gather(s_a * b, 416)(idx_a, P).reshape(s_a, b, W_N)
    xb = _make_gather((s - s_a) * b, 512)(idx_b, P).reshape(s - s_a, b, W_N)

    h0 = jnp.zeros((B_N, W_N), jnp.float32)
    out_a, h_mid = _run_rnn(xa, Wh_pad, WdT, bdT, h0)
    out_b, _ = _run_rnn(xb, Wh_pad, WdT, bdT, h_mid)
    out_t = jnp.concatenate([out_a, out_b], axis=1)
    return out_t.transpose(2, 1, 0)

# --- scband reference (transcript-rebuilt; emitter-appended) ---
"""Pipeline reference for scband-vanilla-rnn-model-59141699666590 (READ-ONLY COPY).

The authoritative reference and input builder live on the scoring server;
editing this copy changes nothing except your own understanding.
"""

import jax, jax.numpy as jnp
import numpy as np

VOCAB = 100000
EMB = 300
HID = 64
NCLS = 10
B = 1024
S = 200


def setup_inputs(seed: int = 0) -> dict:
    key = jax.random.key(seed)
    k_tok, k_emb, k_wx, k_wh, k_wd = jax.random.split(key, 5)
    tokens = jax.random.randint(k_tok, (B, S), 0, VOCAB, dtype=jnp.int64 if jax.config.jax_enable_x64 else jnp.int32)
    emb_table = jax.random.normal(k_emb, (VOCAB, EMB), dtype=jnp.float32) * 0.02
    Wx = jax.random.normal(k_wx, (EMB, HID), dtype=jnp.float32) * (1.0 / np.sqrt(EMB))
    Wh = jax.random.normal(k_wh, (HID, HID), dtype=jnp.float32) * (1.0 / np.sqrt(HID))
    b_rnn = jnp.zeros((HID,), dtype=jnp.float32)
    Wd = jax.random.normal(k_wd, (HID, NCLS), dtype=jnp.float32) * (1.0 / np.sqrt(HID))
    bd = jnp.zeros((NCLS,), dtype=jnp.float32)
    return {"input_tensor": tokens, "emb_table": emb_table, "Wx": Wx, "Wh": Wh, "b_rnn": b_rnn, "Wd": Wd, "bd": bd}


def reference(input_tensor, emb_table, Wx, Wh, b_rnn, Wd, bd):
    # Embedding lookup (gather) -- memory-bound
    x = jnp.take(emb_table, input_tensor, axis=0)  # [B, S, EMB]
    x_t = jnp.swapaxes(x, 0, 1)  # [S, B, EMB]

    def step(h, xt):
        h_new = jnp.tanh(xt @ Wx + h @ Wh + b_rnn)
        return h_new, h_new

    h0 = jnp.zeros((input_tensor.shape[0], HID), dtype=jnp.float32)
    _, hs = jax.lax.scan(step, h0, x_t)  # [S, B, HID]
    hs = jnp.swapaxes(hs, 0, 1)  # [B, S, HID]
    logits = hs @ Wd + bd  # [B, S, NCLS]
    out = jax.nn.softmax(logits, axis=-1)
    return out

if __name__ == "__main__":
    import jax
    _d = setup_inputs()
    print(jax.jit(kernel)(*tuple(_d.values())))

</pallas_src>

<mosaic_0001>
#map = affine_map<(d0, d1) -> (0)>
#map1 = affine_map<(d0, d1) -> (0, 0)>
module attributes {stable_mosaic.version = 14 : i64} {
  func.func @gather_kernel(%arg0: i32, %arg1: i32, %arg2: memref<98304xi32, #tpu.memory_space<hbm>>, %arg3: memref<102400x128xf32, #tpu.memory_space<hbm>>, %arg4: memref<98304x128xf32, #tpu.memory_space<hbm>>, %arg5: memref<512xi32, #tpu.memory_space<vmem>>, %arg6: memref<512x128xf32, #tpu.memory_space<vmem>>, %arg7: memref<!tpu.dma_semaphore, #tpu.memory_space<semaphore_mem>>) attributes {dimension_semantics = [#tpu.dimension_semantics<core_parallel>, #tpu.dimension_semantics<subcore_parallel>], iteration_bounds = array<i64: 2, 16>, scalar_prefetch = 0 : i64, scratch_operands = 3 : i64, tpu.core_type = #tpu.core_type<sc_vector_subcore>, window_params = [{transform_indices = #map}, {transform_indices = #map1}, {transform_indices = #map1}]} {
    %mul3A = arith.constant 2 : i32
    %mul3A_0 = arith.muli %arg1, %mul3A : i32
    %add3A = arith.addi %mul3A_0, %arg0 : i32
    %mul3A_1 = arith.constant 3072 : i32
    %mul3A_2 = arith.muli %add3A, %mul3A_1 : i32
    %add3A_3 = arith.constant 0 : i32
    %add3A_4 = arith.addi %mul3A_2, %add3A_3 : i32
    "tpu.region"() ({
      %run_scoped3A = tpu.sem_alloc : memref<!tpu.dma_semaphore, #tpu.memory_space<semaphore_mem>>
      %dma_start3A_49 = tpu.memref_slice %arg2[%add3A_4] : memref<98304xi32, #tpu.memory_space<hbm>> -> memref<512xi32, #tpu.memory_space<hbm>>
      %dma_start3A_50 = tpu.memref_slice %arg2[%add3A_4] : memref<98304xi32, #tpu.memory_space<hbm>> -> memref<512xi32, #tpu.memory_space<hbm>>
      tpu.enqueue_dma source(%dma_start3A_50 : memref<512xi32, #tpu.memory_space<hbm>>) target(%arg5 : memref<512xi32, #tpu.memory_space<vmem>>) target_semaphore(%run_scoped3A : memref<!tpu.dma_semaphore, #tpu.memory_space<semaphore_mem>>)
      %dma_wait3A_51 = tpu.memref_slice %arg2[%add3A_4] : memref<98304xi32, #tpu.memory_space<hbm>> -> memref<512xi32, #tpu.memory_space<hbm>>
      %dma_wait3A_52 = tpu.memref_slice %arg2[%add3A_4] : memref<98304xi32, #tpu.memory_space<hbm>> -> memref<512xi32, #tpu.memory_space<hbm>>
      tpu.wait_dma2 semaphore(%run_scoped3A : memref<!tpu.dma_semaphore, #tpu.memory_space<semaphore_mem>>) src(%dma_wait3A_52 : memref<512xi32, #tpu.memory_space<hbm>>) dst(%arg5 : memref<512xi32, #tpu.memory_space<vmem>>)
      tpu.yield
    }) : () -> ()
    %dma_start3A = arith.constant 0 : i32
    %dma_start3A_5 = arith.constant 0 : i32
    %dma_start3A_6 = tpu.memref_slice %arg3[%dma_start3A, %dma_start3A_5] : memref<102400x128xf32, #tpu.memory_space<hbm>> -> memref<102400x128xf32, #tpu.memory_space<hbm>>
    tpu.enqueue_indirect_dma source(%dma_start3A_6 : memref<102400x128xf32, #tpu.memory_space<hbm>>) target(%arg6 : memref<512x128xf32, #tpu.memory_space<vmem>>) offsets(%arg5 : memref<512xi32, #tpu.memory_space<vmem>>) semaphore(%arg7 : memref<!tpu.dma_semaphore, #tpu.memory_space<semaphore_mem>>)
    %dma_wait3A = arith.constant 0 : i32
    %dma_wait3A_7 = arith.constant 0 : i32
    %dma_wait3A_8 = tpu.memref_slice %arg3[%dma_wait3A, %dma_wait3A_7] : memref<102400x128xf32, #tpu.memory_space<hbm>> -> memref<102400x128xf32, #tpu.memory_space<hbm>>
    tpu.wait_indirect_dma semaphore(%arg7 : memref<!tpu.dma_semaphore, #tpu.memory_space<semaphore_mem>>) src(%dma_wait3A_8 : memref<102400x128xf32, #tpu.memory_space<hbm>>) dst(%arg6 : memref<512x128xf32, #tpu.memory_space<vmem>>)
    "tpu.region"() ({
      %run_scoped3A = tpu.sem_alloc : memref<!tpu.dma_semaphore, #tpu.memory_space<semaphore_mem>>
      %dma_start3A_49 = arith.constant 0 : i32
      %dma_start3A_50 = tpu.memref_slice %arg4[%add3A_4, %dma_start3A_49] : memref<98304x128xf32, #tpu.memory_space<hbm>> -> memref<512x128xf32, #tpu.memory_space<hbm>>
      %dma_start3A_51 = arith.constant 0 : i32
      %dma_start3A_52 = tpu.memref_slice %arg4[%add3A_4, %dma_start3A_51] : memref<98304x128xf32, #tpu.memory_space<hbm>> -> memref<512x128xf32, #tpu.memory_space<hbm>>
      tpu.enqueue_dma source(%arg6 : memref<512x128xf32, #tpu.memory_space<vmem>>) target(%dma_start3A_52 : memref<512x128xf32, #tpu.memory_space<hbm>>) target_semaphore(%run_scoped3A : memref<!tpu.dma_semaphore, #tpu.memory_space<semaphore_mem>>)
      %dma_wait3A_53 = arith.constant 0 : i32
      %dma_wait3A_54 = tpu.memref_slice %arg4[%add3A_4, %dma_wait3A_53] : memref<98304x128xf32, #tpu.memory_space<hbm>> -> memref<512x128xf32, #tpu.memory_space<hbm>>
      %dma_wait3A_55 = arith.constant 0 : i32
      %dma_wait3A_56 = tpu.memref_slice %arg4[%add3A_4, %dma_wait3A_55] : memref<98304x128xf32, #tpu.memory_space<hbm>> -> memref<512x128xf32, #tpu.memory_space<hbm>>
      tpu.wait_dma2 semaphore(%run_scoped3A : memref<!tpu.dma_semaphore, #tpu.memory_space<semaphore_mem>>) src(%arg6 : memref<512x128xf32, #tpu.memory_space<vmem>>) dst(%dma_wait3A_56 : memref<512x128xf32, #tpu.memory_space<hbm>>)
      tpu.yield
    }) : () -> ()
    %add3A_9 = arith.constant 512 : i32
    %add3A_10 = arith.addi %mul3A_2, %add3A_9 : i32
    "tpu.region"() ({
      %run_scoped3A = tpu.sem_alloc : memref<!tpu.dma_semaphore, #tpu.memory_space<semaphore_mem>>
      %dma_start3A_49 = tpu.memref_slice %arg2[%add3A_10] : memref<98304xi32, #tpu.memory_space<hbm>> -> memref<512xi32, #tpu.memory_space<hbm>>
      %dma_start3A_50 = tpu.memref_slice %arg2[%add3A_10] : memref<98304xi32, #tpu.memory_space<hbm>> -> memref<512xi32, #tpu.memory_space<hbm>>
      tpu.enqueue_dma source(%dma_start3A_50 : memref<512xi32, #tpu.memory_space<hbm>>) target(%arg5 : memref<512xi32, #tpu.memory_space<vmem>>) target_semaphore(%run_scoped3A : memref<!tpu.dma_semaphore, #tpu.memory_space<semaphore_mem>>)
      %dma_wait3A_51 = tpu.memref_slice %arg2[%add3A_10] : memref<98304xi32, #tpu.memory_space<hbm>> -> memref<512xi32, #tpu.memory_space<hbm>>
      %dma_wait3A_52 = tpu.memref_slice %arg2[%add3A_10] : memref<98304xi32, #tpu.memory_space<hbm>> -> memref<512xi32, #tpu.memory_space<hbm>>
      tpu.wait_dma2 semaphore(%run_scoped3A : memref<!tpu.dma_semaphore, #tpu.memory_space<semaphore_mem>>) src(%dma_wait3A_52 : memref<512xi32, #tpu.memory_space<hbm>>) dst(%arg5 : memref<512xi32, #tpu.memory_space<vmem>>)
      tpu.yield
    }) : () -> ()
    %dma_start3A_11 = arith.constant 0 : i32
    %dma_start3A_12 = arith.constant 0 : i32
    %dma_start3A_13 = tpu.memref_slice %arg3[%dma_start3A_11, %dma_start3A_12] : memref<102400x128xf32, #tpu.memory_space<hbm>> -> memref<102400x128xf32, #tpu.memory_space<hbm>>
    tpu.enqueue_indirect_dma source(%dma_start3A_13 : memref<102400x128xf32, #tpu.memory_space<hbm>>) target(%arg6 : memref<512x128xf32, #tpu.memory_space<vmem>>) offsets(%arg5 : memref<512xi32, #tpu.memory_space<vmem>>) semaphore(%arg7 : memref<!tpu.dma_semaphore, #tpu.memory_space<semaphore_mem>>)
    %dma_wait3A_14 = arith.constant 0 : i32
    %dma_wait3A_15 = arith.constant 0 : i32
    %dma_wait3A_16 = tpu.memref_slice %arg3[%dma_wait3A_14, %dma_wait3A_15] : memref<102400x128xf32, #tpu.memory_space<hbm>> -> memref<102400x128xf32, #tpu.memory_space<hbm>>
    tpu.wait_indirect_dma semaphore(%arg7 : memref<!tpu.dma_semaphore, #tpu.memory_space<semaphore_mem>>) src(%dma_wait3A_16 : memref<102400x128xf32, #tpu.memory_space<hbm>>) dst(%arg6 : memref<512x128xf32, #tpu.memory_space<vmem>>)
    "tpu.region"() ({
      %run_scoped3A = tpu.sem_alloc : memref<!tpu.dma_semaphore, #tpu.memory_space<semaphore_mem>>
      %dma_start3A_49 = arith.constant 0 : i32
      %dma_start3A_50 = tpu.memref_slice %arg4[%add3A_10, %dma_start3A_49] : memref<98304x128xf32, #tpu.memory_space<hbm>> -> memref<512x128xf32, #tpu.memory_space<hbm>>
      %dma_start3A_51 = arith.constant 0 : i32
      %dma_start3A_52 = tpu.memref_slice %arg4[%add3A_10, %dma_start3A_51] : memref<98304x128xf32, #tpu.memory_space<hbm>> -> memref<512x128xf32, #tpu.memory_space<hbm>>
      tpu.enqueue_dma source(%arg6 : memref<512x128xf32, #tpu.memory_space<vmem>>) target(%dma_start3A_52 : memref<512x128xf32, #tpu.memory_space<hbm>>) target_semaphore(%run_scoped3A : memref<!tpu.dma_semaphore, #tpu.memory_space<semaphore_mem>>)
      %dma_wait3A_53 = arith.constant 0 : i32
      %dma_wait3A_54 = tpu.memref_slice %arg4[%add3A_10, %dma_wait3A_53] : memref<98304x128xf32, #tpu.memory_space<hbm>> -> memref<512x128xf32, #tpu.memory_space<hbm>>
      %dma_wait3A_55 = arith.constant 0 : i32
      %dma_wait3A_56 = tpu.memref_slice %arg4[%add3A_10, %dma_wait3A_55] : memref<98304x128xf32, #tpu.memory_space<hbm>> -> memref<512x128xf32, #tpu.memory_space<hbm>>
      tpu.wait_dma2 semaphore(%run_scoped3A : memref<!tpu.dma_semaphore, #tpu.memory_space<semaphore_mem>>) src(%arg6 : memref<512x128xf32, #tpu.memory_space<vmem>>) dst(%dma_wait3A_56 : memref<512x128xf32, #tpu.memory_space<hbm>>)
      tpu.yield
    }) : () -> ()
    %add3A_17 = arith.constant 1024 : i32
    %add3A_18 = arith.addi %mul3A_2, %add3A_17 : i32
    "tpu.region"() ({
      %run_scoped3A = tpu.sem_alloc : memref<!tpu.dma_semaphore, #tpu.memory_space<semaphore_mem>>
      %dma_start3A_49 = tpu.memref_slice %arg2[%add3A_18] : memref<98304xi32, #tpu.memory_space<hbm>> -> memref<512xi32, #tpu.memory_space<hbm>>
      %dma_start3A_50 = tpu.memref_slice %arg2[%add3A_18] : memref<98304xi32, #tpu.memory_space<hbm>> -> memref<512xi32, #tpu.memory_space<hbm>>
      tpu.enqueue_dma source(%dma_start3A_50 : memref<512xi32, #tpu.memory_space<hbm>>) target(%arg5 : memref<512xi32, #tpu.memory_space<vmem>>) target_semaphore(%run_scoped3A : memref<!tpu.dma_semaphore, #tpu.memory_space<semaphore_mem>>)
      %dma_wait3A_51 = tpu.memref_slice %arg2[%add3A_18] : memref<98304xi32, #tpu.memory_space<hbm>> -> memref<512xi32, #tpu.memory_space<hbm>>
      %dma_wait3A_52 = tpu.memref_slice %arg2[%add3A_18] : memref<98304xi32, #tpu.memory_space<hbm>> -> memref<512xi32, #tpu.memory_space<hbm>>
      tpu.wait_dma2 semaphore(%run_scoped3A : memref<!tpu.dma_semaphore, #tpu.memory_space<semaphore_mem>>) src(%dma_wait3A_52 : memref<512xi32, #tpu.memory_space<hbm>>) dst(%arg5 : memref<512xi32, #tpu.memory_space<vmem>>)
      tpu.yield
    }) : () -> ()
    %dma_start3A_19 = arith.constant 0 : i32
    %dma_start3A_20 = arith.constant 0 : i32
    %dma_start3A_21 = tpu.memref_slice %arg3[%dma_start3A_19, %dma_start3A_20] : memref<102400x128xf32, #tpu.memory_space<hbm>> -> memref<102400x128xf32, #tpu.memory_space<hbm>>
    tpu.enqueue_indirect_dma source(%dma_start3A_21 : memref<102400x128xf32, #tpu.memory_space<hbm>>) target(%arg6 : memref<512x128xf32, #tpu.memory_space<vmem>>) offsets(%arg5 : memref<512xi32, #tpu.memory_space<vmem>>) semaphore(%arg7 : memref<!tpu.dma_semaphore, #tpu.memory_space<semaphore_mem>>)
    %dma_wait3A_22 = arith.constant 0 : i32
    %dma_wait3A_23 = arith.constant 0 : i32
    %dma_wait3A_24 = tpu.memref_slice %arg3[%dma_wait3A_22, %dma_wait3A_23] : memref<102400x128xf32, #tpu.memory_space<hbm>> -> memref<102400x128xf32, #tpu.memory_space<hbm>>
    tpu.wait_indirect_dma semaphore(%arg7 : memref<!tpu.dma_semaphore, #tpu.memory_space<semaphore_mem>>) src(%dma_wait3A_24 : memref<102400x128xf32, #tpu.memory_space<hbm>>) dst(%arg6 : memref<512x128xf32, #tpu.memory_space<vmem>>)
    "tpu.region"() ({
      %run_scoped3A = tpu.sem_alloc : memref<!tpu.dma_semaphore, #tpu.memory_space<semaphore_mem>>
      %dma_start3A_49 = arith.constant 0 : i32
      %dma_start3A_50 = tpu.memref_slice %arg4[%add3A_18, %dma_start3A_49] : memref<98304x128xf32, #tpu.memory_space<hbm>> -> memref<512x128xf32, #tpu.memory_space<hbm>>
      %dma_start3A_51 = arith.constant 0 : i32
      %dma_start3A_52 = tpu.memref_slice %arg4[%add3A_18, %dma_start3A_51] : memref<98304x128xf32, #tpu.memory_space<hbm>> -> memref<512x128xf32, #tpu.memory_space<hbm>>
      tpu.enqueue_dma source(%arg6 : memref<512x128xf32, #tpu.memory_space<vmem>>) target(%dma_start3A_52 : memref<512x128xf32, #tpu.memory_space<hbm>>) target_semaphore(%run_scoped3A : memref<!tpu.dma_semaphore, #tpu.memory_space<semaphore_mem>>)
      %dma_wait3A_53 = arith.constant 0 : i32
      %dma_wait3A_54 = tpu.memref_slice %arg4[%add3A_18, %dma_wait3A_53] : memref<98304x128xf32, #tpu.memory_space<hbm>> -> memref<512x128xf32, #tpu.memory_space<hbm>>
      %dma_wait3A_55 = arith.constant 0 : i32
      %dma_wait3A_56 = tpu.memref_slice %arg4[%add3A_18, %dma_wait3A_55] : memref<98304x128xf32, #tpu.memory_space<hbm>> -> memref<512x128xf32, #tpu.memory_space<hbm>>
      tpu.wait_dma2 semaphore(%run_scoped3A : memref<!tpu.dma_semaphore, #tpu.memory_space<semaphore_mem>>) src(%arg6 : memref<512x128xf32, #tpu.memory_space<vmem>>) dst(%dma_wait3A_56 : memref<512x128xf32, #tpu.memory_space<hbm>>)
      tpu.yield
    }) : () -> ()
    %add3A_25 = arith.constant 1536 : i32
    %add3A_26 = arith.addi %mul3A_2, %add3A_25 : i32
    "tpu.region"() ({
      %run_scoped3A = tpu.sem_alloc : memref<!tpu.dma_semaphore, #tpu.memory_space<semaphore_mem>>
      %dma_start3A_49 = tpu.memref_slice %arg2[%add3A_26] : memref<98304xi32, #tpu.memory_space<hbm>> -> memref<512xi32, #tpu.memory_space<hbm>>
      %dma_start3A_50 = tpu.memref_slice %arg2[%add3A_26] : memref<98304xi32, #tpu.memory_space<hbm>> -> memref<512xi32, #tpu.memory_space<hbm>>
      tpu.enqueue_dma source(%dma_start3A_50 : memref<512xi32, #tpu.memory_space<hbm>>) target(%arg5 : memref<512xi32, #tpu.memory_space<vmem>>) target_semaphore(%run_scoped3A : memref<!tpu.dma_semaphore, #tpu.memory_space<semaphore_mem>>)
      %dma_wait3A_51 = tpu.memref_slice %arg2[%add3A_26] : memref<98304xi32, #tpu.memory_space<hbm>> -> memref<512xi32, #tpu.memory_space<hbm>>
      %dma_wait3A_52 = tpu.memref_slice %arg2[%add3A_26] : memref<98304xi32, #tpu.memory_space<hbm>> -> memref<512xi32, #tpu.memory_space<hbm>>
      tpu.wait_dma2 semaphore(%run_scoped3A : memref<!tpu.dma_semaphore, #tpu.memory_space<semaphore_mem>>) src(%dma_wait3A_52 : memref<512xi32, #tpu.memory_space<hbm>>) dst(%arg5 : memref<512xi32, #tpu.memory_space<vmem>>)
      tpu.yield
    }) : () -> ()
    %dma_start3A_27 = arith.constant 0 : i32
    %dma_start3A_28 = arith.constant 0 : i32
    %dma_start3A_29 = tpu.memref_slice %arg3[%dma_start3A_27, %dma_start3A_28] : memref<102400x128xf32, #tpu.memory_space<hbm>> -> memref<102400x128xf32, #tpu.memory_space<hbm>>
    tpu.enqueue_indirect_dma source(%dma_start3A_29 : memref<102400x128xf32, #tpu.memory_space<hbm>>) target(%arg6 : memref<512x128xf32, #tpu.memory_space<vmem>>) offsets(%arg5 : memref<512xi32, #tpu.memory_space<vmem>>) semaphore(%arg7 : memref<!tpu.dma_semaphore, #tpu.memory_space<semaphore_mem>>)
    %dma_wait3A_30 = arith.constant 0 : i32
    %dma_wait3A_31 = arith.constant 0 : i32
    %dma_wait3A_32 = tpu.memref_slice %arg3[%dma_wait3A_30, %dma_wait3A_31] : memref<102400x128xf32, #tpu.memory_space<hbm>> -> memref<102400x128xf32, #tpu.memory_space<hbm>>
    tpu.wait_indirect_dma semaphore(%arg7 : memref<!tpu.dma_semaphore, #tpu.memory_space<semaphore_mem>>) src(%dma_wait3A_32 : memref<102400x128xf32, #tpu.memory_space<hbm>>) dst(%arg6 : memref<512x128xf32, #tpu.memory_space<vmem>>)
    "tpu.region"() ({
      %run_scoped3A = tpu.sem_alloc : memref<!tpu.dma_semaphore, #tpu.memory_space<semaphore_mem>>
      %dma_start3A_49 = arith.constant 0 : i32
      %dma_start3A_50 = tpu.memref_slice %arg4[%add3A_26, %dma_start3A_49] : memref<98304x128xf32, #tpu.memory_space<hbm>> -> memref<512x128xf32, #tpu.memory_space<hbm>>
      %dma_start3A_51 = arith.constant 0 : i32
      %dma_start3A_52 = tpu.memref_slice %arg4[%add3A_26, %dma_start3A_51] : memref<98304x128xf32, #tpu.memory_space<hbm>> -> memref<512x128xf32, #tpu.memory_space<hbm>>
      tpu.enqueue_dma source(%arg6 : memref<512x128xf32, #tpu.memory_space<vmem>>) target(%dma_start3A_52 : memref<512x128xf32, #tpu.memory_space<hbm>>) target_semaphore(%run_scoped3A : memref<!tpu.dma_semaphore, #tpu.memory_space<semaphore_mem>>)
      %dma_wait3A_53 = arith.constant 0 : i32
      %dma_wait3A_54 = tpu.memref_slice %arg4[%add3A_26, %dma_wait3A_53] : memref<98304x128xf32, #tpu.memory_space<hbm>> -> memref<512x128xf32, #tpu.memory_space<hbm>>
      %dma_wait3A_55 = arith.constant 0 : i32
      %dma_wait3A_56 = tpu.memref_slice %arg4[%add3A_26, %dma_wait3A_55] : memref<98304x128xf32, #tpu.memory_space<hbm>> -> memref<512x128xf32, #tpu.memory_space<hbm>>
      tpu.wait_dma2 semaphore(%run_scoped3A : memref<!tpu.dma_semaphore, #tpu.memory_space<semaphore_mem>>) src(%arg6 : memref<512x128xf32, #tpu.memory_space<vmem>>) dst(%dma_wait3A_56 : memref<512x128xf32, #tpu.memory_space<hbm>>)
      tpu.yield
    }) : () -> ()
    %add3A_33 = arith.constant 2048 : i32
    %add3A_34 = arith.addi %mul3A_2, %add3A_33 : i32
    "tpu.region"() ({
      %run_scoped3A = tpu.sem_alloc : memref<!tpu.dma_semaphore, #tpu.memory_space<semaphore_mem>>
      %dma_start3A_49 = tpu.memref_slice %arg2[%add3A_34] : memref<98304xi32, #tpu.memory_space<hbm>> -> memref<512xi32, #tpu.memory_space<hbm>>
      %dma_start3A_50 = tpu.memref_slice %arg2[%add3A_34] : memref<98304xi32, #tpu.memory_space<hbm>> -> memref<512xi32, #tpu.memory_space<hbm>>
      tpu.enqueue_dma source(%dma_start3A_50 : memref<512xi32, #tpu.memory_space<hbm>>) target(%arg5 : memref<512xi32, #tpu.memory_space<vmem>>) target_semaphore(%run_scoped3A : memref<!tpu.dma_semaphore, #tpu.memory_space<semaphore_mem>>)
      %dma_wait3A_51 = tpu.memref_slice %arg2[%add3A_34] : memref<98304xi32, #tpu.memory_space<hbm>> -> memref<512xi32, #tpu.memory_space<hbm>>
      %dma_wait3A_52 = tpu.memref_slice %arg2[%add3A_34] : memref<98304xi32, #tpu.memory_space<hbm>> -> memref<512xi32, #tpu.memory_space<hbm>>
      tpu.wait_dma2 semaphore(%run_scoped3A : memref<!tpu.dma_semaphore, #tpu.memory_space<semaphore_mem>>) src(%dma_wait3A_52 : memref<512xi32, #tpu.memory_space<hbm>>) dst(%arg5 : memref<512xi32, #tpu.memory_space<vmem>>)
      tpu.yield
    }) : () -> ()
    %dma_start3A_35 = arith.constant 0 : i32
    %dma_start3A_36 = arith.constant 0 : i32
    %dma_start3A_37 = tpu.memref_slice %arg3[%dma_start3A_35, %dma_start3A_36] : memref<102400x128xf32, #tpu.memory_space<hbm>> -> memref<102400x128xf32, #tpu.memory_space<hbm>>
    tpu.enqueue_indirect_dma source(%dma_start3A_37 : memref<102400x128xf32, #tpu.memory_space<hbm>>) target(%arg6 : memref<512x128xf32, #tpu.memory_space<vmem>>) offsets(%arg5 : memref<512xi32, #tpu.memory_space<vmem>>) semaphore(%arg7 : memref<!tpu.dma_semaphore, #tpu.memory_space<semaphore_mem>>)
    %dma_wait3A_38 = arith.constant 0 : i32
    %dma_wait3A_39 = arith.constant 0 : i32
    %dma_wait3A_40 = tpu.memref_slice %arg3[%dma_wait3A_38, %dma_wait3A_39] : memref<102400x128xf32, #tpu.memory_space<hbm>> -> memref<102400x128xf32, #tpu.memory_space<hbm>>
    tpu.wait_indirect_dma semaphore(%arg7 : memref<!tpu.dma_semaphore, #tpu.memory_space<semaphore_mem>>) src(%dma_wait3A_40 : memref<102400x128xf32, #tpu.memory_space<hbm>>) dst(%arg6 : memref<512x128xf32, #tpu.memory_space<vmem>>)
    "tpu.region"() ({
      %run_scoped3A = tpu.sem_alloc : memref<!tpu.dma_semaphore, #tpu.memory_space<semaphore_mem>>
      %dma_start3A_49 = arith.constant 0 : i32
      %dma_start3A_50 = tpu.memref_slice %arg4[%add3A_34, %dma_start3A_49] : memref<98304x128xf32, #tpu.memory_space<hbm>> -> memref<512x128xf32, #tpu.memory_space<hbm>>
      %dma_start3A_51 = arith.constant 0 : i32
      %dma_start3A_52 = tpu.memref_slice %arg4[%add3A_34, %dma_start3A_51] : memref<98304x128xf32, #tpu.memory_space<hbm>> -> memref<512x128xf32, #tpu.memory_space<hbm>>
      tpu.enqueue_dma source(%arg6 : memref<512x128xf32, #tpu.memory_space<vmem>>) target(%dma_start3A_52 : memref<512x128xf32, #tpu.memory_space<hbm>>) target_semaphore(%run_scoped3A : memref<!tpu.dma_semaphore, #tpu.memory_space<semaphore_mem>>)
      %dma_wait3A_53 = arith.constant 0 : i32
      %dma_wait3A_54 = tpu.memref_slice %arg4[%add3A_34, %dma_wait3A_53] : memref<98304x128xf32, #tpu.memory_space<hbm>> -> memref<512x128xf32, #tpu.memory_space<hbm>>
      %dma_wait3A_55 = arith.constant 0 : i32
      %dma_wait3A_56 = tpu.memref_slice %arg4[%add3A_34, %dma_wait3A_55] : memref<98304x128xf32, #tpu.memory_space<hbm>> -> memref<512x128xf32, #tpu.memory_space<hbm>>
      tpu.wait_dma2 semaphore(%run_scoped3A : memref<!tpu.dma_semaphore, #tpu.memory_space<semaphore_mem>>) src(%arg6 : memref<512x128xf32, #tpu.memory_space<vmem>>) dst(%dma_wait3A_56 : memref<512x128xf32, #tpu.memory_space<hbm>>)
      tpu.yield
    }) : () -> ()
    %add3A_41 = arith.constant 2560 : i32
    %add3A_42 = arith.addi %mul3A_2, %add3A_41 : i32
    "tpu.region"() ({
      %run_scoped3A = tpu.sem_alloc : memref<!tpu.dma_semaphore, #tpu.memory_space<semaphore_mem>>
      %dma_start3A_49 = tpu.memref_slice %arg2[%add3A_42] : memref<98304xi32, #tpu.memory_space<hbm>> -> memref<512xi32, #tpu.memory_space<hbm>>
      %dma_start3A_50 = tpu.memref_slice %arg2[%add3A_42] : memref<98304xi32, #tpu.memory_space<hbm>> -> memref<512xi32, #tpu.memory_space<hbm>>
      tpu.enqueue_dma source(%dma_start3A_50 : memref<512xi32, #tpu.memory_space<hbm>>) target(%arg5 : memref<512xi32, #tpu.memory_space<vmem>>) target_semaphore(%run_scoped3A : memref<!tpu.dma_semaphore, #tpu.memory_space<semaphore_mem>>)
      %dma_wait3A_51 = tpu.memref_slice %arg2[%add3A_42] : memref<98304xi32, #tpu.memory_space<hbm>> -> memref<512xi32, #tpu.memory_space<hbm>>
      %dma_wait3A_52 = tpu.memref_slice %arg2[%add3A_42] : memref<98304xi32, #tpu.memory_space<hbm>> -> memref<512xi32, #tpu.memory_space<hbm>>
      tpu.wait_dma2 semaphore(%run_scoped3A : memref<!tpu.dma_semaphore, #tpu.memory_space<semaphore_mem>>) src(%dma_wait3A_52 : memref<512xi32, #tpu.memory_space<hbm>>) dst(%arg5 : memref<512xi32, #tpu.memory_space<vmem>>)
      tpu.yield
    }) : () -> ()
    %dma_start3A_43 = arith.constant 0 : i32
    %dma_start3A_44 = arith.constant 0 : i32
    %dma_start3A_45 = tpu.memref_slice %arg3[%dma_start3A_43, %dma_start3A_44] : memref<102400x128xf32, #tpu.memory_space<hbm>> -> memref<102400x128xf32, #tpu.memory_space<hbm>>
    tpu.enqueue_indirect_dma source(%dma_start3A_45 : memref<102400x128xf32, #tpu.memory_space<hbm>>) target(%arg6 : memref<512x128xf32, #tpu.memory_space<vmem>>) offsets(%arg5 : memref<512xi32, #tpu.memory_space<vmem>>) semaphore(%arg7 : memref<!tpu.dma_semaphore, #tpu.memory_space<semaphore_mem>>)
    %dma_wait3A_46 = arith.constant 0 : i32
    %dma_wait3A_47 = arith.constant 0 : i32
    %dma_wait3A_48 = tpu.memref_slice %arg3[%dma_wait3A_46, %dma_wait3A_47] : memref<102400x128xf32, #tpu.memory_space<hbm>> -> memref<102400x128xf32, #tpu.memory_space<hbm>>
    tpu.wait_indirect_dma semaphore(%arg7 : memref<!tpu.dma_semaphore, #tpu.memory_space<semaphore_mem>>) src(%dma_wait3A_48 : memref<102400x128xf32, #tpu.memory_space<hbm>>) dst(%arg6 : memref<512x128xf32, #tpu.memory_space<vmem>>)
    "tpu.region"() ({
      %run_scoped3A = tpu.sem_alloc : memref<!tpu.dma_semaphore, #tpu.memory_space<semaphore_mem>>
      %dma_start3A_49 = arith.constant 0 : i32
      %dma_start3A_50 = tpu.memref_slice %arg4[%add3A_42, %dma_start3A_49] : memref<98304x128xf32, #tpu.memory_space<hbm>> -> memref<512x128xf32, #tpu.memory_space<hbm>>
      %dma_start3A_51 = arith.constant 0 : i32
      %dma_start3A_52 = tpu.memref_slice %arg4[%add3A_42, %dma_start3A_51] : memref<98304x128xf32, #tpu.memory_space<hbm>> -> memref<512x128xf32, #tpu.memory_space<hbm>>
      tpu.enqueue_dma source(%arg6 : memref<512x128xf32, #tpu.memory_space<vmem>>) target(%dma_start3A_52 : memref<512x128xf32, #tpu.memory_space<hbm>>) target_semaphore(%run_scoped3A : memref<!tpu.dma_semaphore, #tpu.memory_space<semaphore_mem>>)
      %dma_wait3A_53 = arith.constant 0 : i32
      %dma_wait3A_54 = tpu.memref_slice %arg4[%add3A_42, %dma_wait3A_53] : memref<98304x128xf32, #tpu.memory_space<hbm>> -> memref<512x128xf32, #tpu.memory_space<hbm>>
      %dma_wait3A_55 = arith.constant 0 : i32
      %dma_wait3A_56 = tpu.memref_slice %arg4[%add3A_42, %dma_wait3A_55] : memref<98304x128xf32, #tpu.memory_space<hbm>> -> memref<512x128xf32, #tpu.memory_space<hbm>>
      tpu.wait_dma2 semaphore(%run_scoped3A : memref<!tpu.dma_semaphore, #tpu.memory_space<semaphore_mem>>) src(%arg6 : memref<512x128xf32, #tpu.memory_space<vmem>>) dst(%dma_wait3A_56 : memref<512x128xf32, #tpu.memory_space<hbm>>)
      tpu.yield
    }) : () -> ()
    return
  }
}

#map = affine_map<(d0, d1) -> (0)>
#map1 = affine_map<(d0, d1) -> (0, 0)>
module attributes {stable_mosaic.version = 14 : i64} {
  func.func @gather_kernel(%arg0: i32, %arg1: i32, %arg2: memref<106496xi32, #tpu.memory_space<hbm>>, %arg3: memref<102400x128xf32, #tpu.memory_space<hbm>>, %arg4: memref<106496x128xf32, #tpu.memory_space<hbm>>, %arg5: memref<416xi32, #tpu.memory_space<vmem>>, %arg6: memref<416x128xf32, #tpu.memory_space<vmem>>, %arg7: memref<!tpu.dma_semaphore, #tpu.memory_space<semaphore_mem>>) attributes {dimension_semantics = [#tpu.dimension_semantics<core_parallel>, #tpu.dimension_semantics<subcore_parallel>], iteration_bounds = array<i64: 2, 16>, scalar_prefetch = 0 : i64, scratch_operands = 3 : i64, tpu.core_type = #tpu.core_type<sc_vector_subcore>, window_params = [{transform_indices = #map}, {transform_indices = #map1}, {transform_indices = #map1}]} {
    %mul3A = arith.constant 2 : i32
    %mul3A_0 = arith.muli %arg1, %mul3A : i32
    %add3A = arith.addi %mul3A_0, %arg0 : i32
    %mul3A_1 = arith.constant 3328 : i32
    %mul3A_2 = arith.muli %add3A, %mul3A_1 : i32
    %add3A_3 = arith.constant 0 : i32
    %add3A_4 = arith.addi %mul3A_2, %add3A_3 : i32
    "tpu.region"() ({
      %run_scoped3A = tpu.sem_alloc : memref<!tpu.dma_semaphore, #tpu.memory_space<semaphore_mem>>
      %dma_start3A_65 = tpu.memref_slice %arg2[%add3A_4] : memref<106496xi32, #tpu.memory_space<hbm>> -> memref<416xi32, #tpu.memory_space<hbm>>
      %dma_start3A_66 = tpu.memref_slice %arg2[%add3A_4] : memref<106496xi32, #tpu.memory_space<hbm>> -> memref<416xi32, #tpu.memory_space<hbm>>
      tpu.enqueue_dma source(%dma_start3A_66 : memref<416xi32, #tpu.memory_space<hbm>>) target(%arg5 : memref<416xi32, #tpu.memory_space<vmem>>) target_semaphore(%run_scoped3A : memref<!tpu.dma_semaphore, #tpu.memory_space<semaphore_mem>>)
      %dma_wait3A_67 = tpu.memref_slice %arg2[%add3A_4] : memref<106496xi32, #tpu.memory_space<hbm>> -> memref<416xi32, #tpu.memory_space<hbm>>
      %dma_wait3A_68 = tpu.memref_slice %arg2[%add3A_4] : memref<106496xi32, #tpu.memory_space<hbm>> -> memref<416xi32, #tpu.memory_space<hbm>>
      tpu.wait_dma2 semaphore(%run_scoped3A : memref<!tpu.dma_semaphore, #tpu.memory_space<semaphore_mem>>) src(%dma_wait3A_68 : memref<416xi32, #tpu.memory_space<hbm>>) dst(%arg5 : memref<416xi32, #tpu.memory_space<vmem>>)
      tpu.yield
    }) : () -> ()
    %dma_start3A = arith.constant 0 : i32
    %dma_start3A_5 = arith.constant 0 : i32
    %dma_start3A_6 = tpu.memref_slice %arg3[%dma_start3A, %dma_start3A_5] : memref<102400x128xf32, #tpu.memory_space<hbm>> -> memref<102400x128xf32, #tpu.memory_space<hbm>>
    tpu.enqueue_indirect_dma source(%dma_start3A_6 : memref<102400x128xf32, #tpu.memory_space<hbm>>) target(%arg6 : memref<416x128xf32, #tpu.memory_space<vmem>>) offsets(%arg5 : memref<416xi32, #tpu.memory_space<vmem>>) semaphore(%arg7 : memref<!tpu.dma_semaphore, #tpu.memory_space<semaphore_mem>>)
    %dma_wait3A = arith.constant 0 : i32
    %dma_wait3A_7 = arith.constant 0 : i32
    %dma_wait3A_8 = tpu.memref_slice %arg3[%dma_wait3A, %dma_wait3A_7] : memref<102400x128xf32, #tpu.memory_space<hbm>> -> memref<102400x128xf32, #tpu.memory_space<hbm>>
    tpu.wait_indirect_dma semaphore(%arg7 : memref<!tpu.dma_semaphore, #tpu.memory_space<semaphore_mem>>) src(%dma_wait3A_8 : memref<102400x128xf32, #tpu.memory_space<hbm>>) dst(%arg6 : memref<416x128xf32, #tpu.memory_space<vmem>>)
    "tpu.region"() ({
      %run_scoped3A = tpu.sem_alloc : memref<!tpu.dma_semaphore, #tpu.memory_space<semaphore_mem>>
      %dma_start3A_65 = arith.constant 0 : i32
      %dma_start3A_66 = tpu.memref_slice %arg4[%add3A_4, %dma_start3A_65] : memref<106496x128xf32, #tpu.memory_space<hbm>> -> memref<416x128xf32, #tpu.memory_space<hbm>>
      %dma_start3A_67 = arith.constant 0 : i32
      %dma_start3A_68 = tpu.memref_slice %arg4[%add3A_4, %dma_start3A_67] : memref<106496x128xf32, #tpu.memory_space<hbm>> -> memref<416x128xf32, #tpu.memory_space<hbm>>
      tpu.enqueue_dma source(%arg6 : memref<416x128xf32, #tpu.memory_space<vmem>>) target(%dma_start3A_68 : memref<416x128xf32, #tpu.memory_space<hbm>>) target_semaphore(%run_scoped3A : memref<!tpu.dma_semaphore, #tpu.memory_space<semaphore_mem>>)
      %dma_wait3A_69 = arith.constant 0 : i32
      %dma_wait3A_70 = tpu.memref_slice %arg4[%add3A_4, %dma_wait3A_69] : memref<106496x128xf32, #tpu.memory_space<hbm>> -> memref<416x128xf32, #tpu.memory_space<hbm>>
      %dma_wait3A_71 = arith.constant 0 : i32
      %dma_wait3A_72 = tpu.memref_slice %arg4[%add3A_4, %dma_wait3A_71] : memref<106496x128xf32, #tpu.memory_space<hbm>> -> memref<416x128xf32, #tpu.memory_space<hbm>>
      tpu.wait_dma2 semaphore(%run_scoped3A : memref<!tpu.dma_semaphore, #tpu.memory_space<semaphore_mem>>) src(%arg6 : memref<416x128xf32, #tpu.memory_space<vmem>>) dst(%dma_wait3A_72 : memref<416x128xf32, #tpu.memory_space<hbm>>)
      tpu.yield
    }) : () -> ()
    %add3A_9 = arith.constant 416 : i32
    %add3A_10 = arith.addi %mul3A_2, %add3A_9 : i32
    "tpu.region"() ({
      %run_scoped3A = tpu.sem_alloc : memref<!tpu.dma_semaphore, #tpu.memory_space<semaphore_mem>>
      %dma_start3A_65 = tpu.memref_slice %arg2[%add3A_10] : memref<106496xi32, #tpu.memory_space<hbm>> -> memref<416xi32, #tpu.memory_space<hbm>>
      %dma_start3A_66 = tpu.memref_slice %arg2[%add3A_10] : memref<106496xi32, #tpu.memory_space<hbm>> -> memref<416xi32, #tpu.memory_space<hbm>>
      tpu.enqueue_dma source(%dma_start3A_66 : memref<416xi32, #tpu.memory_space<hbm>>) target(%arg5 : memref<416xi32, #tpu.memory_space<vmem>>) target_semaphore(%run_scoped3A : memref<!tpu.dma_semaphore, #tpu.memory_space<semaphore_mem>>)
      %dma_wait3A_67 = tpu.memref_slice %arg2[%add3A_10] : memref<106496xi32, #tpu.memory_space<hbm>> -> memref<416xi32, #tpu.memory_space<hbm>>
      %dma_wait3A_68 = tpu.memref_slice %arg2[%add3A_10] : memref<106496xi32, #tpu.memory_space<hbm>> -> memref<416xi32, #tpu.memory_space<hbm>>
      tpu.wait_dma2 semaphore(%run_scoped3A : memref<!tpu.dma_semaphore, #tpu.memory_space<semaphore_mem>>) src(%dma_wait3A_68 : memref<416xi32, #tpu.memory_space<hbm>>) dst(%arg5 : memref<416xi32, #tpu.memory_space<vmem>>)
      tpu.yield
    }) : () -> ()
    %dma_start3A_11 = arith.constant 0 : i32
    %dma_start3A_12 = arith.constant 0 : i32
    %dma_start3A_13 = tpu.memref_slice %arg3[%dma_start3A_11, %dma_start3A_12] : memref<102400x128xf32, #tpu.memory_space<hbm>> -> memref<102400x128xf32, #tpu.memory_space<hbm>>
    tpu.enqueue_indirect_dma source(%dma_start3A_13 : memref<102400x128xf32, #tpu.memory_space<hbm>>) target(%arg6 : memref<416x128xf32, #tpu.memory_space<vmem>>) offsets(%arg5 : memref<416xi32, #tpu.memory_space<vmem>>) semaphore(%arg7 : memref<!tpu.dma_semaphore, #tpu.memory_space<semaphore_mem>>)
    %dma_wait3A_14 = arith.constant 0 : i32
    %dma_wait3A_15 = arith.constant 0 : i32
    %dma_wait3A_16 = tpu.memref_slice %arg3[%dma_wait3A_14, %dma_wait3A_15] : memref<102400x128xf32, #tpu.memory_space<hbm>> -> memref<102400x128xf32, #tpu.memory_space<hbm>>
    tpu.wait_indirect_dma semaphore(%arg7 : memref<!tpu.dma_semaphore, #tpu.memory_space<semaphore_mem>>) src(%dma_wait3A_16 : memref<102400x128xf32, #tpu.memory_space<hbm>>) dst(%arg6 : memref<416x128xf32, #tpu.memory_space<vmem>>)
    "tpu.region"() ({
      %run_scoped3A = tpu.sem_alloc : memref<!tpu.dma_semaphore, #tpu.memory_space<semaphore_mem>>
      %dma_start3A_65 = arith.constant 0 : i32
      %dma_start3A_66 = tpu.memref_slice %arg4[%add3A_10, %dma_start3A_65] : memref<106496x128xf32, #tpu.memory_space<hbm>> -> memref<416x128xf32, #tpu.memory_space<hbm>>
      %dma_start3A_67 = arith.constant 0 : i32
      %dma_start3A_68 = tpu.memref_slice %arg4[%add3A_10, %dma_start3A_67] : memref<106496x128xf32, #tpu.memory_space<hbm>> -> memref<416x128xf32, #tpu.memory_space<hbm>>
      tpu.enqueue_dma source(%arg6 : memref<416x128xf32, #tpu.memory_space<vmem>>) target(%dma_start3A_68 : memref<416x128xf32, #tpu.memory_space<hbm>>) target_semaphore(%run_scoped3A : memref<!tpu.dma_semaphore, #tpu.memory_space<semaphore_mem>>)
      %dma_wait3A_69 = arith.constant 0 : i32
      %dma_wait3A_70 = tpu.memref_slice %arg4[%add3A_10, %dma_wait3A_69] : memref<106496x128xf32, #tpu.memory_space<hbm>> -> memref<416x128xf32, #tpu.memory_space<hbm>>
      %dma_wait3A_71 = arith.constant 0 : i32
      %dma_wait3A_72 = tpu.memref_slice %arg4[%add3A_10, %dma_wait3A_71] : memref<106496x128xf32, #tpu.memory_space<hbm>> -> memref<416x128xf32, #tpu.memory_space<hbm>>
      tpu.wait_dma2 semaphore(%run_scoped3A : memref<!tpu.dma_semaphore, #tpu.memory_space<semaphore_mem>>) src(%arg6 : memref<416x128xf32, #tpu.memory_space<vmem>>) dst(%dma_wait3A_72 : memref<416x128xf32, #tpu.memory_space<hbm>>)
      tpu.yield
    }) : () -> ()
    %add3A_17 = arith.constant 832 : i32
    %add3A_18 = arith.addi %mul3A_2, %add3A_17 : i32
    "tpu.region"() ({
      %run_scoped3A = tpu.sem_alloc : memref<!tpu.dma_semaphore, #tpu.memory_space<semaphore_mem>>
      %dma_start3A_65 = tpu.memref_slice %arg2[%add3A_18] : memref<106496xi32, #tpu.memory_space<hbm>> -> memref<416xi32, #tpu.memory_space<hbm>>
      %dma_start3A_66 = tpu.memref_slice %arg2[%add3A_18] : memref<106496xi32, #tpu.memory_space<hbm>> -> memref<416xi32, #tpu.memory_space<hbm>>
      tpu.enqueue_dma source(%dma_start3A_66 : memref<416xi32, #tpu.memory_space<hbm>>) target(%arg5 : memref<416xi32, #tpu.memory_space<vmem>>) target_semaphore(%run_scoped3A : memref<!tpu.dma_semaphore, #tpu.memory_space<semaphore_mem>>)
      %dma_wait3A_67 = tpu.memref_slice %arg2[%add3A_18] : memref<106496xi32, #tpu.memory_space<hbm>> -> memref<416xi32, #tpu.memory_space<hbm>>
      %dma_wait3A_68 = tpu.memref_slice %arg2[%add3A_18] : memref<106496xi32, #tpu.memory_space<hbm>> -> memref<416xi32, #tpu.memory_space<hbm>>
      tpu.wait_dma2 semaphore(%run_scoped3A : memref<!tpu.dma_semaphore, #tpu.memory_space<semaphore_mem>>) src(%dma_wait3A_68 : memref<416xi32, #tpu.memory_space<hbm>>) dst(%arg5 : memref<416xi32, #tpu.memory_space<vmem>>)
      tpu.yield
    }) : () -> ()
    %dma_start3A_19 = arith.constant 0 : i32
    %dma_start3A_20 = arith.constant 0 : i32
    %dma_start3A_21 = tpu.memref_slice %arg3[%dma_start3A_19, %dma_start3A_20] : memref<102400x128xf32, #tpu.memory_space<hbm>> -> memref<102400x128xf32, #tpu.memory_space<hbm>>
    tpu.enqueue_indirect_dma source(%dma_start3A_21 : memref<102400x128xf32, #tpu.memory_space<hbm>>) target(%arg6 : memref<416x128xf32, #tpu.memory_space<vmem>>) offsets(%arg5 : memref<416xi32, #tpu.memory_space<vmem>>) semaphore(%arg7 : memref<!tpu.dma_semaphore, #tpu.memory_space<semaphore_mem>>)
    %dma_wait3A_22 = arith.constant 0 : i32
    %dma_wait3A_23 = arith.constant 0 : i32
    %dma_wait3A_24 = tpu.memref_slice %arg3[%dma_wait3A_22, %dma_wait3A_23] : memref<102400x128xf32, #tpu.memory_space<hbm>> -> memref<102400x128xf32, #tpu.memory_space<hbm>>
    tpu.wait_indirect_dma semaphore(%arg7 : memref<!tpu.dma_semaphore, #tpu.memory_space<semaphore_mem>>) src(%dma_wait3A_24 : memref<102400x128xf32, #tpu.memory_space<hbm>>) dst(%arg6 : memref<416x128xf32, #tpu.memory_space<vmem>>)
    "tpu.region"() ({
      %run_scoped3A = tpu.sem_alloc : memref<!tpu.dma_semaphore, #tpu.memory_space<semaphore_mem>>
      %dma_start3A_65 = arith.constant 0 : i32
      %dma_start3A_66 = tpu.memref_slice %arg4[%add3A_18, %dma_start3A_65] : memref<106496x128xf32, #tpu.memory_space<hbm>> -> memref<416x128xf32, #tpu.memory_space<hbm>>
      %dma_start3A_67 = arith.constant 0 : i32
      %dma_start3A_68 = tpu.memref_slice %arg4[%add3A_18, %dma_start3A_67] : memref<106496x128xf32, #tpu.memory_space<hbm>> -> memref<416x128xf32, #tpu.memory_space<hbm>>
      tpu.enqueue_dma source(%arg6 : memref<416x128xf32, #tpu.memory_space<vmem>>) target(%dma_start3A_68 : memref<416x128xf32, #tpu.memory_space<hbm>>) target_semaphore(%run_scoped3A : memref<!tpu.dma_semaphore, #tpu.memory_space<semaphore_mem>>)
      %dma_wait3A_69 = arith.constant 0 : i32
      %dma_wait3A_70 = tpu.memref_slice %arg4[%add3A_18, %dma_wait3A_69] : memref<106496x128xf32, #tpu.memory_space<hbm>> -> memref<416x128xf32, #tpu.memory_space<hbm>>
      %dma_wait3A_71 = arith.constant 0 : i32
      %dma_wait3A_72 = tpu.memref_slice %arg4[%add3A_18, %dma_wait3A_71] : memref<106496x128xf32, #tpu.memory_space<hbm>> -> memref<416x128xf32, #tpu.memory_space<hbm>>
      tpu.wait_dma2 semaphore(%run_scoped3A : memref<!tpu.dma_semaphore, #tpu.memory_space<semaphore_mem>>) src(%arg6 : memref<416x128xf32, #tpu.memory_space<vmem>>) dst(%dma_wait3A_72 : memref<416x128xf32, #tpu.memory_space<hbm>>)
      tpu.yield
    }) : () -> ()
    %add3A_25 = arith.constant 1248 : i32
    %add3A_26 = arith.addi %mul3A_2, %add3A_25 : i32
    "tpu.region"() ({
      %run_scoped3A = tpu.sem_alloc : memref<!tpu.dma_semaphore, #tpu.memory_space<semaphore_mem>>
      %dma_start3A_65 = tpu.memref_slice %arg2[%add3A_26] : memref<106496xi32, #tpu.memory_space<hbm>> -> memref<416xi32, #tpu.memory_space<hbm>>
      %dma_start3A_66 = tpu.memref_slice %arg2[%add3A_26] : memref<106496xi32, #tpu.memory_space<hbm>> -> memref<416xi32, #tpu.memory_space<hbm>>
      tpu.enqueue_dma source(%dma_start3A_66 : memref<416xi32, #tpu.memory_space<hbm>>) target(%arg5 : memref<416xi32, #tpu.memory_space<vmem>>) target_semaphore(%run_scoped3A : memref<!tpu.dma_semaphore, #tpu.memory_space<semaphore_mem>>)
      %dma_wait3A_67 = tpu.memref_slice %arg2[%add3A_26] : memref<106496xi32, #tpu.memory_space<hbm>> -> memref<416xi32, #tpu.memory_space<hbm>>
      %dma_wait3A_68 = tpu.memref_slice %arg2[%add3A_26] : memref<106496xi32, #tpu.memory_space<hbm>> -> memref<416xi32, #tpu.memory_space<hbm>>
      tpu.wait_dma2 semaphore(%run_scoped3A : memref<!tpu.dma_semaphore, #tpu.memory_space<semaphore_mem>>) src(%dma_wait3A_68 : memref<416xi32, #tpu.memory_space<hbm>>) dst(%arg5 : memref<416xi32, #tpu.memory_space<vmem>>)
      tpu.yield
    }) : () -> ()
    %dma_start3A_27 = arith.constant 0 : i32
    %dma_start3A_28 = arith.constant 0 : i32
    %dma_start3A_29 = tpu.memref_slice %arg3[%dma_start3A_27, %dma_start3A_28] : memref<102400x128xf32, #tpu.memory_space<hbm>> -> memref<102400x128xf32, #tpu.memory_space<hbm>>
    tpu.enqueue_indirect_dma source(%dma_start3A_29 : memref<102400x128xf32, #tpu.memory_space<hbm>>) target(%arg6 : memref<416x128xf32, #tpu.memory_space<vmem>>) offsets(%arg5 : memref<416xi32, #tpu.memory_space<vmem>>) semaphore(%arg7 : memref<!tpu.dma_semaphore, #tpu.memory_space<semaphore_mem>>)
    %dma_wait3A_30 = arith.constant 0 : i32
    %dma_wait3A_31 = arith.constant 0 : i32
    %dma_wait3A_32 = tpu.memref_slice %arg3[%dma_wait3A_30, %dma_wait3A_31] : memref<102400x128xf32, #tpu.memory_space<hbm>> -> memref<102400x128xf32, #tpu.memory_space<hbm>>
    tpu.wait_indirect_dma semaphore(%arg7 : memref<!tpu.dma_semaphore, #tpu.memory_space<semaphore_mem>>) src(%dma_wait3A_32 : memref<102400x128xf32, #tpu.memory_space<hbm>>) dst(%arg6 : memref<416x128xf32, #tpu.memory_space<vmem>>)
    "tpu.region"() ({
      %run_scoped3A = tpu.sem_alloc : memref<!tpu.dma_semaphore, #tpu.memory_space<semaphore_mem>>
      %dma_start3A_65 = arith.constant 0 : i32
      %dma_start3A_66 = tpu.memref_slice %arg4[%add3A_26, %dma_start3A_65] : memref<106496x128xf32, #tpu.memory_space<hbm>> -> memref<416x128xf32, #tpu.memory_space<hbm>>
      %dma_start3A_67 = arith.constant 0 : i32
      %dma_start3A_68 = tpu.memref_slice %arg4[%add3A_26, %dma_start3A_67] : memref<106496x128xf32, #tpu.memory_space<hbm>> -> memref<416x128xf32, #tpu.memory_space<hbm>>
      tpu.enqueue_dma source(%arg6 : memref<416x128xf32, #tpu.memory_space<vmem>>) target(%dma_start3A_68 : memref<416x128xf32, #tpu.memory_space<hbm>>) target_semaphore(%run_scoped3A : memref<!tpu.dma_semaphore, #tpu.memory_space<semaphore_mem>>)
      %dma_wait3A_69 = arith.constant 0 : i32
      %dma_wait3A_70 = tpu.memref_slice %arg4[%add3A_26, %dma_wait3A_69] : memref<106496x128xf32, #tpu.memory_space<hbm>> -> memref<416x128xf32, #tpu.memory_space<hbm>>
      %dma_wait3A_71 = arith.constant 0 : i32
      %dma_wait3A_72 = tpu.memref_slice %arg4[%add3A_26, %dma_wait3A_71] : memref<106496x128xf32, #tpu.memory_space<hbm>> -> memref<416x128xf32, #tpu.memory_space<hbm>>
      tpu.wait_dma2 semaphore(%run_scoped3A : memref<!tpu.dma_semaphore, #tpu.memory_space<semaphore_mem>>) src(%arg6 : memref<416x128xf32, #tpu.memory_space<vmem>>) dst(%dma_wait3A_72 : memref<416x128xf32, #tpu.memory_space<hbm>>)
      tpu.yield
    }) : () -> ()
    %add3A_33 = arith.constant 1664 : i32
    %add3A_34 = arith.addi %mul3A_2, %add3A_33 : i32
    "tpu.region"() ({
      %run_scoped3A = tpu.sem_alloc : memref<!tpu.dma_semaphore, #tpu.memory_space<semaphore_mem>>
      %dma_start3A_65 = tpu.memref_slice %arg2[%add3A_34] : memref<106496xi32, #tpu.memory_space<hbm>> -> memref<416xi32, #tpu.memory_space<hbm>>
      %dma_start3A_66 = tpu.memref_slice %arg2[%add3A_34] : memref<106496xi32, #tpu.memory_space<hbm>> -> memref<416xi32, #tpu.memory_space<hbm>>
      tpu.enqueue_dma source(%dma_start3A_66 : memref<416xi32, #tpu.memory_space<hbm>>) target(%arg5 : memref<416xi32, #tpu.memory_space<vmem>>) target_semaphore(%run_scoped3A : memref<!tpu.dma_semaphore, #tpu.memory_space<semaphore_mem>>)
      %dma_wait3A_67 = tpu.memref_slice %arg2[%add3A_34] : memref<106496xi32, #tpu.memory_space<hbm>> -> memref<416xi32, #tpu.memory_space<hbm>>
      %dma_wait3A_68 = tpu.memref_slice %arg2[%add3A_34] : memref<106496xi32, #tpu.memory_space<hbm>> -> memref<416xi32, #tpu.memory_space<hbm>>
      tpu.wait_dma2 semaphore(%run_scoped3A : memref<!tpu.dma_semaphore, #tpu.memory_space<semaphore_mem>>) src(%dma_wait3A_68 : memref<416xi32, #tpu.memory_space<hbm>>) dst(%arg5 : memref<416xi32, #tpu.memory_space<vmem>>)
      tpu.yield
    }) : () -> ()
    %dma_start3A_35 = arith.constant 0 : i32
    %dma_start3A_36 = arith.constant 0 : i32
    %dma_start3A_37 = tpu.memref_slice %arg3[%dma_start3A_35, %dma_start3A_36] : memref<102400x128xf32, #tpu.memory_space<hbm>> -> memref<102400x128xf32, #tpu.memory_space<hbm>>
    tpu.enqueue_indirect_dma source(%dma_start3A_37 : memref<102400x128xf32, #tpu.memory_space<hbm>>) target(%arg6 : memref<416x128xf32, #tpu.memory_space<vmem>>) offsets(%arg5 : memref<416xi32, #tpu.memory_space<vmem>>) semaphore(%arg7 : memref<!tpu.dma_semaphore, #tpu.memory_space<semaphore_mem>>)
    %dma_wait3A_38 = arith.constant 0 : i32
    %dma_wait3A_39 = arith.constant 0 : i32
    %dma_wait3A_40 = tpu.memref_slice %arg3[%dma_wait3A_38, %dma_wait3A_39] : memref<102400x128xf32, #tpu.memory_space<hbm>> -> memref<102400x128xf32, #tpu.memory_space<hbm>>
    tpu.wait_indirect_dma semaphore(%arg7 : memref<!tpu.dma_semaphore, #tpu.memory_space<semaphore_mem>>) src(%dma_wait3A_40 : memref<102400x128xf32, #tpu.memory_space<hbm>>) dst(%arg6 : memref<416x128xf32, #tpu.memory_space<vmem>>)
    "tpu.region"() ({
      %run_scoped3A = tpu.sem_alloc : memref<!tpu.dma_semaphore, #tpu.memory_space<semaphore_mem>>
      %dma_start3A_65 = arith.constant 0 : i32
      %dma_start3A_66 = tpu.memref_slice %arg4[%add3A_34, %dma_start3A_65] : memref<106496x128xf32, #tpu.memory_space<hbm>> -> memref<416x128xf32, #tpu.memory_space<hbm>>
      %dma_start3A_67 = arith.constant 0 : i32
      %dma_start3A_68 = tpu.memref_slice %arg4[%add3A_34, %dma_start3A_67] : memref<106496x128xf32, #tpu.memory_space<hbm>> -> memref<416x128xf32, #tpu.memory_space<hbm>>
      tpu.enqueue_dma source(%arg6 : memref<416x128xf32, #tpu.memory_space<vmem>>) target(%dma_start3A_68 : memref<416x128xf32, #tpu.memory_space<hbm>>) target_semaphore(%run_scoped3A : memref<!tpu.dma_semaphore, #tpu.memory_space<semaphore_mem>>)
      %dma_wait3A_69 = arith.constant 0 : i32
      %dma_wait3A_70 = tpu.memref_slice %arg4[%add3A_34, %dma_wait3A_69] : memref<106496x128xf32, #tpu.memory_space<hbm>> -> memref<416x128xf32, #tpu.memory_space<hbm>>
      %dma_wait3A_71 = arith.constant 0 : i32
      %dma_wait3A_72 = tpu.memref_slice %arg4[%add3A_34, %dma_wait3A_71] : memref<106496x128xf32, #tpu.memory_space<hbm>> -> memref<416x128xf32, #tpu.memory_space<hbm>>
      tpu.wait_dma2 semaphore(%run_scoped3A : memref<!tpu.dma_semaphore, #tpu.memory_space<semaphore_mem>>) src(%arg6 : memref<416x128xf32, #tpu.memory_space<vmem>>) dst(%dma_wait3A_72 : memref<416x128xf32, #tpu.memory_space<hbm>>)
      tpu.yield
    }) : () -> ()
    %add3A_41 = arith.constant 2080 : i32
    %add3A_42 = arith.addi %mul3A_2, %add3A_41 : i32
    "tpu.region"() ({
      %run_scoped3A = tpu.sem_alloc : memref<!tpu.dma_semaphore, #tpu.memory_space<semaphore_mem>>
      %dma_start3A_65 = tpu.memref_slice %arg2[%add3A_42] : memref<106496xi32, #tpu.memory_space<hbm>> -> memref<416xi32, #tpu.memory_space<hbm>>
      %dma_start3A_66 = tpu.memref_slice %arg2[%add3A_42] : memref<106496xi32, #tpu.memory_space<hbm>> -> memref<416xi32, #tpu.memory_space<hbm>>
      tpu.enqueue_dma source(%dma_start3A_66 : memref<416xi32, #tpu.memory_space<hbm>>) target(%arg5 : memref<416xi32, #tpu.memory_space<vmem>>) target_semaphore(%run_scoped3A : memref<!tpu.dma_semaphore, #tpu.memory_space<semaphore_mem>>)
      %dma_wait3A_67 = tpu.memref_slice %arg2[%add3A_42] : memref<106496xi32, #tpu.memory_space<hbm>> -> memref<416xi32, #tpu.memory_space<hbm>>
      %dma_wait3A_68 = tpu.memref_slice %arg2[%add3A_42] : memref<106496xi32, #tpu.memory_space<hbm>> -> memref<416xi32, #tpu.memory_space<hbm>>
      tpu.wait_dma2 semaphore(%run_scoped3A : memref<!tpu.dma_semaphore, #tpu.memory_space<semaphore_mem>>) src(%dma_wait3A_68 : memref<416xi32, #tpu.memory_space<hbm>>) dst(%arg5 : memref<416xi32, #tpu.memory_space<vmem>>)
      tpu.yield
    }) : () -> ()
    %dma_start3A_43 = arith.constant 0 : i32
    %dma_start3A_44 = arith.constant 0 : i32
    %dma_start3A_45 = tpu.memref_slice %arg3[%dma_start3A_43, %dma_start3A_44] : memref<102400x128xf32, #tpu.memory_space<hbm>> -> memref<102400x128xf32, #tpu.memory_space<hbm>>
    tpu.enqueue_indirect_dma source(%dma_start3A_45 : memref<102400x128xf32, #tpu.memory_space<hbm>>) target(%arg6 : memref<416x128xf32, #tpu.memory_space<vmem>>) offsets(%arg5 : memref<416xi32, #tpu.memory_space<vmem>>) semaphore(%arg7 : memref<!tpu.dma_semaphore, #tpu.memory_space<semaphore_mem>>)
    %dma_wait3A_46 = arith.constant 0 : i32
    %dma_wait3A_47 = arith.constant 0 : i32
    %dma_wait3A_48 = tpu.memref_slice %arg3[%dma_wait3A_46, %dma_wait3A_47] : memref<102400x128xf32, #tpu.memory_space<hbm>> -> memref<102400x128xf32, #tpu.memory_space<hbm>>
    tpu.wait_indirect_dma semaphore(%arg7 : memref<!tpu.dma_semaphore, #tpu.memory_space<semaphore_mem>>) src(%dma_wait3A_48 : memref<102400x128xf32, #tpu.memory_space<hbm>>) dst(%arg6 : memref<416x128xf32, #tpu.memory_space<vmem>>)
    "tpu.region"() ({
      %run_scoped3A = tpu.sem_alloc : memref<!tpu.dma_semaphore, #tpu.memory_space<semaphore_mem>>
      %dma_start3A_65 = arith.constant 0 : i32
      %dma_start3A_66 = tpu.memref_slice %arg4[%add3A_42, %dma_start3A_65] : memref<106496x128xf32, #tpu.memory_space<hbm>> -> memref<416x128xf32, #tpu.memory_space<hbm>>
      %dma_start3A_67 = arith.constant 0 : i32
      %dma_start3A_68 = tpu.memref_slice %arg4[%add3A_42, %dma_start3A_67] : memref<106496x128xf32, #tpu.memory_space<hbm>> -> memref<416x128xf32, #tpu.memory_space<hbm>>
      tpu.enqueue_dma source(%arg6 : memref<416x128xf32, #tpu.memory_space<vmem>>) target(%dma_start3A_68 : memref<416x128xf32, #tpu.memory_space<hbm>>) target_semaphore(%run_scoped3A : memref<!tpu.dma_semaphore, #tpu.memory_space<semaphore_mem>>)
      %dma_wait3A_69 = arith.constant 0 : i32
      %dma_wait3A_70 = tpu.memref_slice %arg4[%add3A_42, %dma_wait3A_69] : memref<106496x128xf32, #tpu.memory_space<hbm>> -> memref<416x128xf32, #tpu.memory_space<hbm>>
      %dma_wait3A_71 = arith.constant 0 : i32
      %dma_wait3A_72 = tpu.memref_slice %arg4[%add3A_42, %dma_wait3A_71] : memref<106496x128xf32, #tpu.memory_space<hbm>> -> memref<416x128xf32, #tpu.memory_space<hbm>>
      tpu.wait_dma2 semaphore(%run_scoped3A : memref<!tpu.dma_semaphore, #tpu.memory_space<semaphore_mem>>) src(%arg6 : memref<416x128xf32, #tpu.memory_space<vmem>>) dst(%dma_wait3A_72 : memref<416x128xf32, #tpu.memory_space<hbm>>)
      tpu.yield
    }) : () -> ()
    %add3A_49 = arith.constant 2496 : i32
    %add3A_50 = arith.addi %mul3A_2, %add3A_49 : i32
    "tpu.region"() ({
      %run_scoped3A = tpu.sem_alloc : memref<!tpu.dma_semaphore, #tpu.memory_space<semaphore_mem>>
      %dma_start3A_65 = tpu.memref_slice %arg2[%add3A_50] : memref<106496xi32, #tpu.memory_space<hbm>> -> memref<416xi32, #tpu.memory_space<hbm>>
      %dma_start3A_66 = tpu.memref_slice %arg2[%add3A_50] : memref<106496xi32, #tpu.memory_space<hbm>> -> memref<416xi32, #tpu.memory_space<hbm>>
      tpu.enqueue_dma source(%dma_start3A_66 : memref<416xi32, #tpu.memory_space<hbm>>) target(%arg5 : memref<416xi32, #tpu.memory_space<vmem>>) target_semaphore(%run_scoped3A : memref<!tpu.dma_semaphore, #tpu.memory_space<semaphore_mem>>)
      %dma_wait3A_67 = tpu.memref_slice %arg2[%add3A_50] : memref<106496xi32, #tpu.memory_space<hbm>> -> memref<416xi32, #tpu.memory_space<hbm>>
      %dma_wait3A_68 = tpu.memref_slice %arg2[%add3A_50] : memref<106496xi32, #tpu.memory_space<hbm>> -> memref<416xi32, #tpu.memory_space<hbm>>
      tpu.wait_dma2 semaphore(%run_scoped3A : memref<!tpu.dma_semaphore, #tpu.memory_space<semaphore_mem>>) src(%dma_wait3A_68 : memref<416xi32, #tpu.memory_space<hbm>>) dst(%arg5 : memref<416xi32, #tpu.memory_space<vmem>>)
      tpu.yield
    }) : () -> ()
    %dma_start3A_51 = arith.constant 0 : i32
    %dma_start3A_52 = arith.constant 0 : i32
    %dma_start3A_53 = tpu.memref_slice %arg3[%dma_start3A_51, %dma_start3A_52] : memref<102400x128xf32, #tpu.memory_space<hbm>> -> memref<102400x128xf32, #tpu.memory_space<hbm>>
    tpu.enqueue_indirect_dma source(%dma_start3A_53 : memref<102400x128xf32, #tpu.memory_space<hbm>>) target(%arg6 : memref<416x128xf32, #tpu.memory_space<vmem>>) offsets(%arg5 : memref<416xi32, #tpu.memory_space<vmem>>) semaphore(%arg7 : memref<!tpu.dma_semaphore, #tpu.memory_space<semaphore_mem>>)
    %dma_wait3A_54 = arith.constant 0 : i32
    %dma_wait3A_55 = arith.constant 0 : i32
    %dma_wait3A_56 = tpu.memref_slice %arg3[%dma_wait3A_54, %dma_wait3A_55] : memref<102400x128xf32, #tpu.memory_space<hbm>> -> memref<102400x128xf32, #tpu.memory_space<hbm>>
    tpu.wait_indirect_dma semaphore(%arg7 : memref<!tpu.dma_semaphore, #tpu.memory_space<semaphore_mem>>) src(%dma_wait3A_56 : memref<102400x128xf32, #tpu.memory_space<hbm>>) dst(%arg6 : memref<416x128xf32, #tpu.memory_space<vmem>>)
    "tpu.region"() ({
      %run_scoped3A = tpu.sem_alloc : memref<!tpu.dma_semaphore, #tpu.memory_space<semaphore_mem>>
      %dma_start3A_65 = arith.constant 0 : i32
      %dma_start3A_66 = tpu.memref_slice %arg4[%add3A_50, %dma_start3A_65] : memref<106496x128xf32, #tpu.memory_space<hbm>> -> memref<416x128xf32, #tpu.memory_space<hbm>>
      %dma_start3A_67 = arith.constant 0 : i32
      %dma_start3A_68 = tpu.memref_slice %arg4[%add3A_50, %dma_start3A_67] : memref<106496x128xf32, #tpu.memory_space<hbm>> -> memref<416x128xf32, #tpu.memory_space<hbm>>
      tpu.enqueue_dma source(%arg6 : memref<416x128xf32, #tpu.memory_space<vmem>>) target(%dma_start3A_68 : memref<416x128xf32, #tpu.memory_space<hbm>>) target_semaphore(%run_scoped3A : memref<!tpu.dma_semaphore, #tpu.memory_space<semaphore_mem>>)
      %dma_wait3A_69 = arith.constant 0 : i32
      %dma_wait3A_70 = tpu.memref_slice %arg4[%add3A_50, %dma_wait3A_69] : memref<106496x128xf32, #tpu.memory_space<hbm>> -> memref<416x128xf32, #tpu.memory_space<hbm>>
      %dma_wait3A_71 = arith.constant 0 : i32
      %dma_wait3A_72 = tpu.memref_slice %arg4[%add3A_50, %dma_wait3A_71] : memref<106496x128xf32, #tpu.memory_space<hbm>> -> memref<416x128xf32, #tpu.memory_space<hbm>>
      tpu.wait_dma2 semaphore(%run_scoped3A : memref<!tpu.dma_semaphore, #tpu.memory_space<semaphore_mem>>) src(%arg6 : memref<416x128xf32, #tpu.memory_space<vmem>>) dst(%dma_wait3A_72 : memref<416x128xf32, #tpu.memory_space<hbm>>)
      tpu.yield
    }) : () -> ()
    %add3A_57 = arith.constant 2912 : i32
    %add3A_58 = arith.addi %mul3A_2, %add3A_57 : i32
    "tpu.region"() ({
      %run_scoped3A = tpu.sem_alloc : memref<!tpu.dma_semaphore, #tpu.memory_space<semaphore_mem>>
      %dma_start3A_65 = tpu.memref_slice %arg2[%add3A_58] : memref<106496xi32, #tpu.memory_space<hbm>> -> memref<416xi32, #tpu.memory_space<hbm>>
      %dma_start3A_66 = tpu.memref_slice %arg2[%add3A_58] : memref<106496xi32, #tpu.memory_space<hbm>> -> memref<416xi32, #tpu.memory_space<hbm>>
      tpu.enqueue_dma source(%dma_start3A_66 : memref<416xi32, #tpu.memory_space<hbm>>) target(%arg5 : memref<416xi32, #tpu.memory_space<vmem>>) target_semaphore(%run_scoped3A : memref<!tpu.dma_semaphore, #tpu.memory_space<semaphore_mem>>)
      %dma_wait3A_67 = tpu.memref_slice %arg2[%add3A_58] : memref<106496xi32, #tpu.memory_space<hbm>> -> memref<416xi32, #tpu.memory_space<hbm>>
      %dma_wait3A_68 = tpu.memref_slice %arg2[%add3A_58] : memref<106496xi32, #tpu.memory_space<hbm>> -> memref<416xi32, #tpu.memory_space<hbm>>
      tpu.wait_dma2 semaphore(%run_scoped3A : memref<!tpu.dma_semaphore, #tpu.memory_space<semaphore_mem>>) src(%dma_wait3A_68 : memref<416xi32, #tpu.memory_space<hbm>>) dst(%arg5 : memref<416xi32, #tpu.memory_space<vmem>>)
      tpu.yield
    }) : () -> ()
    %dma_start3A_59 = arith.constant 0 : i32
    %dma_start3A_60 = arith.constant 0 : i32
    %dma_start3A_61 = tpu.memref_slice %arg3[%dma_start3A_59, %dma_start3A_60] : memref<102400x128xf32, #tpu.memory_space<hbm>> -> memref<102400x128xf32, #tpu.memory_space<hbm>>
    tpu.enqueue_indirect_dma source(%dma_start3A_61 : memref<102400x128xf32, #tpu.memory_space<hbm>>) target(%arg6 : memref<416x128xf32, #tpu.memory_space<vmem>>) offsets(%arg5 : memref<416xi32, #tpu.memory_space<vmem>>) semaphore(%arg7 : memref<!tpu.dma_semaphore, #tpu.memory_space<semaphore_mem>>)
    %dma_wait3A_62 = arith.constant 0 : i32
    %dma_wait3A_63 = arith.constant 0 : i32
    %dma_wait3A_64 = tpu.memref_slice %arg3[%dma_wait3A_62, %dma_wait3A_63] : memref<102400x128xf32, #tpu.memory_space<hbm>> -> memref<102400x128xf32, #tpu.memory_space<hbm>>
    tpu.wait_indirect_dma semaphore(%arg7 : memref<!tpu.dma_semaphore, #tpu.memory_space<semaphore_mem>>) src(%dma_wait3A_64 : memref<102400x128xf32, #tpu.memory_space<hbm>>) dst(%arg6 : memref<416x128xf32, #tpu.memory_space<vmem>>)
    "tpu.region"() ({
      %run_scoped3A = tpu.sem_alloc : memref<!tpu.dma_semaphore, #tpu.memory_space<semaphore_mem>>
      %dma_start3A_65 = arith.constant 0 : i32
      %dma_start3A_66 = tpu.memref_slice %arg4[%add3A_58, %dma_start3A_65] : memref<106496x128xf32, #tpu.memory_space<hbm>> -> memref<416x128xf32, #tpu.memory_space<hbm>>
      %dma_start3A_67 = arith.constant 0 : i32
      %dma_start3A_68 = tpu.memref_slice %arg4[%add3A_58, %dma_start3A_67] : memref<106496x128xf32, #tpu.memory_space<hbm>> -> memref<416x128xf32, #tpu.memory_space<hbm>>
      tpu.enqueue_dma source(%arg6 : memref<416x128xf32, #tpu.memory_space<vmem>>) target(%dma_start3A_68 : memref<416x128xf32, #tpu.memory_space<hbm>>) target_semaphore(%run_scoped3A : memref<!tpu.dma_semaphore, #tpu.memory_space<semaphore_mem>>)
      %dma_wait3A_69 = arith.constant 0 : i32
      %dma_wait3A_70 = tpu.memref_slice %arg4[%add3A_58, %dma_wait3A_69] : memref<106496x128xf32, #tpu.memory_space<hbm>> -> memref<416x128xf32, #tpu.memory_space<hbm>>
      %dma_wait3A_71 = arith.constant 0 : i32
      %dma_wait3A_72 = tpu.memref_slice %arg4[%add3A_58, %dma_wait3A_71] : memref<106496x128xf32, #tpu.memory_space<hbm>> -> memref<416x128xf32, #tpu.memory_space<hbm>>
      tpu.wait_dma2 semaphore(%run_scoped3A : memref<!tpu.dma_semaphore, #tpu.memory_space<semaphore_mem>>) src(%arg6 : memref<416x128xf32, #tpu.memory_space<vmem>>) dst(%dma_wait3A_72 : memref<416x128xf32, #tpu.memory_space<hbm>>)
      tpu.yield
    }) : () -> ()
    return
  }
}

module attributes {stable_mosaic.version = 14 : i64} {
  func.func @_proj_body(%arg0: i32, %arg1: memref<300x4096xf32, #tpu.memory_space<vmem>>, %arg2: memref<300x128xf32, #tpu.memory_space<vmem>>, %arg3: memref<1x128xf32, #tpu.memory_space<vmem>>, %arg4: memref<4096x128xf32, #tpu.memory_space<vmem>>) attributes {dimension_semantics = [#tpu.dimension_semantics<arbitrary>], iteration_bounds = array<i64: 25>, scalar_prefetch = 0 : i64, scratch_operands = 0 : i64, tpu.core_type = #tpu.core_type<tc>, window_params = [{transform_indices = @transform_0, window_bounds = array<i64: 300, 4096>}, {pipeline_mode = #tpu.pipeline_mode<synchronous>, transform_indices = @transform_1, window_bounds = array<i64: 300, 128>}, {pipeline_mode = #tpu.pipeline_mode<synchronous>, transform_indices = @transform_2, window_bounds = array<i64: 1, 128>}, {transform_indices = @transform_3, window_bounds = array<i64: 4096, 128>}]} {
    %get3A = arith.constant 0 : index
    %get3A_0 = arith.constant 0 : index
    %get3A_1 = vector.load %arg1[%get3A, %get3A_0] : memref<300x4096xf32, #tpu.memory_space<vmem>>, vector<300x4096xf32>
    %get3A_2 = arith.constant 0 : index
    %get3A_3 = arith.constant 0 : index
    %get3A_4 = vector.load %arg2[%get3A_2, %get3A_3] : memref<300x128xf32, #tpu.memory_space<vmem>>, vector<300x128xf32>
    %dot_general3A = arith.constant dense<0.000000e+00> : vector<4096x128xf32>
    %dot_general3A_5 = tpu.matmul %get3A_1, %get3A_4, %dot_general3A {dimension_numbers = #tpu.dot_dimension_numbers<[0], [0], [1], [1], [0, 1, 1, 1], [], []>, transpose_lhs_hint = false} : vector<300x4096xf32>, vector<300x128xf32>, vector<4096x128xf32> -> vector<4096x128xf32>
    %get3A_6 = arith.constant 0 : index
    %get3A_7 = arith.constant 0 : index
    %get3A_8 = vector.load %arg3[%get3A_6, %get3A_7] : memref<1x128xf32, #tpu.memory_space<vmem>>, vector<1x128xf32>
    %add3A = vector.broadcast %get3A_8 : vector<1x128xf32> to vector<4096x128xf32>
    %add3A_9 = arith.addf %dot_general3A_5, %add3A : vector<4096x128xf32>
    %swap3A = arith.constant 0 : index
    %swap3A_10 = arith.constant 0 : index
    %swap3A_11 = vector.load %arg4[%swap3A, %swap3A_10] : memref<4096x128xf32, #tpu.memory_space<vmem>>, vector<4096x128xf32>
    tpu.vector_store %arg4[%swap3A, %swap3A_10], %add3A_9 {strides = array<i32>} : memref<4096x128xf32, #tpu.memory_space<vmem>>, vector<4096x128xf32>,
    return
  }
  func.func @transform_0(%arg0: i32) -> (i32, i32) {
    %c0_i32 = arith.constant 0 : i32
    %c0_i32_0 = arith.constant 0 : i32
    return %c0_i32, %arg0 : i32, i32
  }
  func.func @transform_1(%arg0: i32) -> (i32, i32) {
    %c0_i32 = arith.constant 0 : i32
    %c0_i32_0 = arith.constant 0 : i32
    %c0_i32_1 = arith.constant 0 : i32
    return %c0_i32, %c0_i32_0 : i32, i32
  }
  func.func @transform_2(%arg0: i32) -> (i32, i32) {
    %c0_i32 = arith.constant 0 : i32
    %c0_i32_0 = arith.constant 0 : i32
    %c0_i32_1 = arith.constant 0 : i32
    return %c0_i32, %c0_i32_0 : i32, i32
  }
  func.func @transform_3(%arg0: i32) -> (i32, i32) {
    %c0_i32 = arith.constant 0 : i32
    %c0_i32_0 = arith.constant 0 : i32
    return %arg0, %c0_i32 : i32, i32
  }
}

module attributes {stable_mosaic.version = 14 : i64} {
  func.func @_rnn_body(%arg0: i32, %arg1: i32, %arg2: memref<8x1024x128xf32, #tpu.memory_space<vmem>>, %arg3: memref<128x128xf32, #tpu.memory_space<vmem>>, %arg4: memref<16x128xf32, #tpu.memory_space<vmem>>, %arg5: memref<16x1xf32, #tpu.memory_space<vmem>>, %arg6: memref<1024x128xf32, #tpu.memory_space<vmem>>, %arg7: memref<10x8x1024xf32, #tpu.memory_space<vmem>>, %arg8: memref<1024x128xf32, #tpu.memory_space<vmem>>, %arg9: memref<1024x128xf32, #tpu.memory_space<vmem>>, %arg10: memref<8x1024x128xf32, #tpu.memory_space<vmem>>) attributes {dimension_semantics = [#tpu.dimension_semantics<arbitrary>, #tpu.dimension_semantics<arbitrary>], iteration_bounds = array<i64: 1, 13>, scalar_prefetch = 0 : i64, scratch_operands = 2 : i64, tpu.core_type = #tpu.core_type<tc>, window_params = [{transform_indices = @transform_0, window_bounds = array<i64: 8, 1024, 128>}, {pipeline_mode = #tpu.pipeline_mode<synchronous>, transform_indices = @transform_1, window_bounds = array<i64: 128, 128>}, {pipeline_mode = #tpu.pipeline_mode<synchronous>, transform_indices = @transform_2, window_bounds = array<i64: 16, 128>}, {pipeline_mode = #tpu.pipeline_mode<synchronous>, transform_indices = @transform_3, window_bounds = array<i64: 16, 1>}, {transform_indices = @transform_4, window_bounds = array<i64: 1024, 128>}, {transform_indices = @transform_5, window_bounds = array<i64: 10, 8, 1024>}, {transform_indices = @transform_6, window_bounds = array<i64: 1024, 128>}]} {
    %eq3A = arith.constant 0 : i32
    %eq3A_0 = arith.cmpi eq, %arg1, %eq3A : i32
    %convert_element_type3A = arith.extui %eq3A_0 : i1 to i32
    %cond3A = arith.constant 0 : i32
    %cond3A_1 = arith.cmpi ne, %convert_element_type3A, %cond3A : i32
    scf.if %cond3A_1 {
      %get3A_50 = arith.constant 0 : index
      %get3A_51 = arith.constant 0 : index
      %get3A_52 = vector.load %arg6[%get3A_50, %get3A_51] : memref<1024x128xf32, #tpu.memory_space<vmem>>, vector<1024x128xf32>
      %swap3A_53 = arith.constant 0 : index
      %swap3A_54 = arith.constant 0 : index
      %swap3A_55 = vector.load %arg9[%swap3A_53, %swap3A_54] : memref<1024x128xf32, #tpu.memory_space<vmem>>, vector<1024x128xf32>
      tpu.vector_store %arg9[%swap3A_53, %swap3A_54], %get3A_52 {strides = array<i32>} : memref<1024x128xf32, #tpu.memory_space<vmem>>, vector<1024x128xf32>,
    } else {
    }
    %get3A = arith.constant 0 : index
    %get3A_2 = arith.constant 0 : index
    %get3A_3 = vector.load %arg3[%get3A, %get3A_2] : memref<128x128xf32, #tpu.memory_space<vmem>>, vector<128x128xf32>
    %get3A_4 = arith.constant 0 : index
    %get3A_5 = arith.constant 0 : index
    %get3A_6 = vector.load %arg9[%get3A_4, %get3A_5] : memref<1024x128xf32, #tpu.memory_space<vmem>>, vector<512x128xf32>
    %get3A_7 = arith.constant 512 : index
    %get3A_8 = arith.constant 0 : index
    %get3A_9 = vector.load %arg9[%get3A_7, %get3A_8] : memref<1024x128xf32, #tpu.memory_space<vmem>>, vector<512x128xf32>
    %scan3A = arith.constant 0 : i32
    %scan3A_10 = arith.constant 8 : i32
    %scan3A_11 = arith.addi %scan3A, %scan3A_10 : i32
    %scan3A_12 = arith.constant 1 : i32
    %scan3A_13:2 = scf.for %scan3A_50 = %scan3A to %scan3A_11 step %scan3A_12 iter_args(%scan3A_51 = %get3A_6, %scan3A_52 = %get3A_9) -> (vector<512x128xf32>, vector<512x128xf32>)  : i32 {
      %get3A_53 = arith.index_cast %scan3A_50 : i32 to index
      %get3A_54 = arith.constant 0 : index
      %get3A_55 = arith.constant 0 : index
      %get3A_56 = vector.load %arg2[%get3A_53, %get3A_54, %get3A_55] : memref<8x1024x128xf32, #tpu.memory_space<vmem>>, vector<1x1024x128xf32>
      %get3A_57 = vector.shape_cast %get3A_56 : vector<1x1024x128xf32> to vector<1024x128xf32>
      %slice3A_58 = vector.extract_strided_slice %get3A_57 {offsets = [0, 0], sizes = [512, 128], strides = [1, 1]} : vector<1024x128xf32> to vector<512x128xf32>
      %dot_general3A_59 = arith.constant dense<0.000000e+00> : vector<512x128xf32>
      %dot_general3A_60 = tpu.matmul %scan3A_51, %get3A_3, %dot_general3A_59 {dimension_numbers = #tpu.dot_dimension_numbers<[1], [0], [0], [1], [0, 0, 1, 1], [], []>, transpose_lhs_hint = false} : vector<512x128xf32>, vector<128x128xf32>, vector<512x128xf32> -> vector<512x128xf32>
      %add3A_61 = arith.addf %slice3A_58, %dot_general3A_60 : vector<512x128xf32>
      %tanh3A = math.tanh %add3A_61 : vector<512x128xf32>
      %slice3A_62 = vector.extract_strided_slice %get3A_57 {offsets = [512, 0], sizes = [512, 128], strides = [1, 1]} : vector<1024x128xf32> to vector<512x128xf32>
      %dot_general3A_63 = arith.constant dense<0.000000e+00> : vector<512x128xf32>
      %dot_general3A_64 = tpu.matmul %scan3A_52, %get3A_3, %dot_general3A_63 {dimension_numbers = #tpu.dot_dimension_numbers<[1], [0], [0], [1], [0, 0, 1, 1], [], []>, transpose_lhs_hint = false} : vector<512x128xf32>, vector<128x128xf32>, vector<512x128xf32> -> vector<512x128xf32>
      %add3A_65 = arith.addf %slice3A_62, %dot_general3A_64 : vector<512x128xf32>
      %tanh3A_66 = math.tanh %add3A_65 : vector<512x128xf32>
      %broadcast_in_dim3A_67 = vector.shape_cast %tanh3A : vector<512x128xf32> to vector<1x512x128xf32>
      %swap3A_68 = arith.index_cast %scan3A_50 : i32 to index
      %swap3A_69 = arith.constant 0 : index
      %swap3A_70 = arith.constant 0 : index
      %swap3A_71 = vector.load %arg10[%swap3A_68, %swap3A_69, %swap3A_70] : memref<8x1024x128xf32, #tpu.memory_space<vmem>>, vector<1x512x128xf32>
      tpu.vector_store %arg10[%swap3A_68, %swap3A_69, %swap3A_70], %broadcast_in_dim3A_67 {strides = array<i32>} : memref<8x1024x128xf32, #tpu.memory_space<vmem>>, vector<1x512x128xf32>,
      %broadcast_in_dim3A_72 = vector.shape_cast %tanh3A_66 : vector<512x128xf32> to vector<1x512x128xf32>
      %swap3A_73 = arith.index_cast %scan3A_50 : i32 to index
      %swap3A_74 = arith.constant 512 : index
      %swap3A_75 = arith.constant 0 : index
      %swap3A_76 = vector.load %arg10[%swap3A_73, %swap3A_74, %swap3A_75] : memref<8x1024x128xf32, #tpu.memory_space<vmem>>, vector<1x512x128xf32>
      tpu.vector_store %arg10[%swap3A_73, %swap3A_74, %swap3A_75], %broadcast_in_dim3A_72 {strides = array<i32>} : memref<8x1024x128xf32, #tpu.memory_space<vmem>>, vector<1x512x128xf32>,
      scf.yield %tanh3A, %tanh3A_66 : vector<512x128xf32>, vector<512x128xf32>
    }
    %scan3A_14 = arith.constant 8 : i32
    %swap3A = arith.constant 0 : index
    %swap3A_15 = arith.constant 0 : index
    %swap3A_16 = vector.load %arg9[%swap3A, %swap3A_15] : memref<1024x128xf32, #tpu.memory_space<vmem>>, vector<512x128xf32>
    tpu.vector_store %arg9[%swap3A, %swap3A_15], %scan3A_13#0 {strides = array<i32>} : memref<1024x128xf32, #tpu.memory_space<vmem>>, vector<512x128xf32>,
    %swap3A_17 = arith.constant 512 : index
    %swap3A_18 = arith.constant 0 : index
    %swap3A_19 = vector.load %arg9[%swap3A_17, %swap3A_18] : memref<1024x128xf32, #tpu.memory_space<vmem>>, vector<512x128xf32>
    tpu.vector_store %arg9[%swap3A_17, %swap3A_18], %scan3A_13#1 {strides = array<i32>} : memref<1024x128xf32, #tpu.memory_space<vmem>>, vector<512x128xf32>,
    %get3A_20 = arith.constant 0 : index
    %get3A_21 = arith.constant 0 : index
    %get3A_22 = arith.constant 0 : index
    %get3A_23 = vector.load %arg10[%get3A_20, %get3A_21, %get3A_22] : memref<8x1024x128xf32, #tpu.memory_space<vmem>>, vector<8x1024x128xf32>
    %reshape3A = vector.shape_cast %get3A_23 : vector<8x1024x128xf32> to vector<8192x128xf32>
    %get3A_24 = arith.constant 0 : index
    %get3A_25 = arith.constant 0 : index
    %get3A_26 = vector.load %arg4[%get3A_24, %get3A_25] : memref<16x128xf32, #tpu.memory_space<vmem>>, vector<16x128xf32>
    %dot_general3A = arith.constant dense<0.000000e+00> : vector<16x8192xf32>
    %dot_general3A_27 = tpu.matmul %get3A_26, %reshape3A, %dot_general3A {dimension_numbers = #tpu.dot_dimension_numbers<[1], [1], [0], [0], [0, 0, 1, 0], [], []>, transpose_lhs_hint = false} : vector<16x128xf32>, vector<8192x128xf32>, vector<16x8192xf32> -> vector<16x8192xf32>
    %get3A_28 = arith.constant 0 : index
    %get3A_29 = arith.constant 0 : index
    %get3A_30 = vector.load %arg5[%get3A_28, %get3A_29] : memref<16x1xf32, #tpu.memory_space<vmem>>, vector<16x1xf32>
    %add3A = vector.broadcast %get3A_30 : vector<16x1xf32> to vector<16x8192xf32>
    %add3A_31 = arith.addf %dot_general3A_27, %add3A : vector<16x8192xf32>
    %iota3A = tpu.iota {dimensions = array<i32: 0>} : vector<16x8192xi32>
    %lt3A = arith.constant 10 : i32
    %lt3A_32 = vector.broadcast %lt3A : i32 to vector<16x8192xi32>
    %lt3A_33 = arith.cmpi slt, %iota3A, %lt3A_32 : vector<16x8192xi32>
    %exp3A = math.exp %add3A_31 : vector<16x8192xf32>
    %jit3A = arith.constant 0.000000e+00 : f32
    %broadcast_in_dim3A = vector.broadcast %jit3A : f32 to vector<16x8192xf32>
    %select_n3A = arith.select %lt3A_33, %exp3A, %broadcast_in_dim3A : vector<16x8192xi1>, vector<16x8192xf32>
    %reduce_sum3A = arith.constant dense<0.000000e+00> : vector<8192xf32>
    %reduce_sum3A_34 = vector.multi_reduction <add>, %select_n3A, %reduce_sum3A [0] : vector<16x8192xf32> to vector<8192xf32>
    %broadcast_in_dim3A_35 = vector.shape_cast %reduce_sum3A_34 : vector<8192xf32> to vector<1x8192xf32>
    %div3A = arith.constant 1.000000e+00 : f32
    %div3A_36 = vector.broadcast %div3A : f32 to vector<1x8192xf32>
    %div3A_37 = arith.divf %div3A_36, %broadcast_in_dim3A_35 : vector<1x8192xf32>
    %mul3A = vector.broadcast %div3A_37 : vector<1x8192xf32> to vector<16x8192xf32>
    %mul3A_38 = arith.mulf %select_n3A, %mul3A : vector<16x8192xf32>
    %slice3A = vector.extract_strided_slice %mul3A_38 {offsets = [0, 0], sizes = [10, 8192], strides = [1, 1]} : vector<16x8192xf32> to vector<10x8192xf32>
    %reshape3A_39 = vector.shape_cast %slice3A : vector<10x8192xf32> to vector<10x8x1024xf32>
    %swap3A_40 = arith.constant 0 : index
    %swap3A_41 = arith.constant 0 : index
    %swap3A_42 = arith.constant 0 : index
    %swap3A_43 = vector.load %arg7[%swap3A_40, %swap3A_41, %swap3A_42] : memref<10x8x1024xf32, #tpu.memory_space<vmem>>, vector<10x8x1024xf32>
    tpu.vector_store %arg7[%swap3A_40, %swap3A_41, %swap3A_42], %reshape3A_39 {strides = array<i32>} : memref<10x8x1024xf32, #tpu.memory_space<vmem>>, vector<10x8x1024xf32>,
    %get3A_44 = arith.constant 0 : index
    %get3A_45 = arith.constant 0 : index
    %get3A_46 = vector.load %arg9[%get3A_44, %get3A_45] : memref<1024x128xf32, #tpu.memory_space<vmem>>, vector<1024x128xf32>
    %swap3A_47 = arith.constant 0 : index
    %swap3A_48 = arith.constant 0 : index
    %swap3A_49 = vector.load %arg8[%swap3A_47, %swap3A_48] : memref<1024x128xf32, #tpu.memory_space<vmem>>, vector<1024x128xf32>
    tpu.vector_store %arg8[%swap3A_47, %swap3A_48], %get3A_46 {strides = array<i32>} : memref<1024x128xf32, #tpu.memory_space<vmem>>, vector<1024x128xf32>,
    return
  }
  func.func @transform_0(%arg0: i32, %arg1: i32) -> (i32, i32, i32) {
    %c0_i32 = arith.constant 0 : i32
    %c0_i32_0 = arith.constant 0 : i32
    return %arg1, %arg0, %c0_i32 : i32, i32, i32
  }
  func.func @transform_1(%arg0: i32, %arg1: i32) -> (i32, i32) {
    %c0_i32 = arith.constant 0 : i32
    %c0_i32_0 = arith.constant 0 : i32
    %c0_i32_1 = arith.constant 0 : i32
    return %c0_i32, %c0_i32_0 : i32, i32
  }
  func.func @transform_2(%arg0: i32, %arg1: i32) -> (i32, i32) {
    %c0_i32 = arith.constant 0 : i32
    %c0_i32_0 = arith.constant 0 : i32
    %c0_i32_1 = arith.constant 0 : i32
    return %c0_i32, %c0_i32_0 : i32, i32
  }
  func.func @transform_3(%arg0: i32, %arg1: i32) -> (i32, i32) {
    %c0_i32 = arith.constant 0 : i32
    %c0_i32_0 = arith.constant 0 : i32
    %c0_i32_1 = arith.constant 0 : i32
    return %c0_i32, %c0_i32_0 : i32, i32
  }
  func.func @transform_4(%arg0: i32, %arg1: i32) -> (i32, i32) {
    %c0_i32 = arith.constant 0 : i32
    %c0_i32_0 = arith.constant 0 : i32
    return %arg0, %c0_i32 : i32, i32
  }
  func.func @transform_5(%arg0: i32, %arg1: i32) -> (i32, i32, i32) {
    %c0_i32 = arith.constant 0 : i32
    %c0_i32_0 = arith.constant 0 : i32
    return %c0_i32, %arg1, %arg0 : i32, i32, i32
  }
  func.func @transform_6(%arg0: i32, %arg1: i32) -> (i32, i32) {
    %c0_i32 = arith.constant 0 : i32
    %c0_i32_0 = arith.constant 0 : i32
    return %arg0, %c0_i32 : i32, i32
  }
}

module attributes {stable_mosaic.version = 14 : i64} {
  func.func @_rnn_body(%arg0: i32, %arg1: i32, %arg2: memref<8x1024x128xf32, #tpu.memory_space<vmem>>, %arg3: memref<128x128xf32, #tpu.memory_space<vmem>>, %arg4: memref<16x128xf32, #tpu.memory_space<vmem>>, %arg5: memref<16x1xf32, #tpu.memory_space<vmem>>, %arg6: memref<1024x128xf32, #tpu.memory_space<vmem>>, %arg7: memref<10x8x1024xf32, #tpu.memory_space<vmem>>, %arg8: memref<1024x128xf32, #tpu.memory_space<vmem>>, %arg9: memref<1024x128xf32, #tpu.memory_space<vmem>>, %arg10: memref<8x1024x128xf32, #tpu.memory_space<vmem>>) attributes {dimension_semantics = [#tpu.dimension_semantics<arbitrary>, #tpu.dimension_semantics<arbitrary>], iteration_bounds = array<i64: 1, 12>, scalar_prefetch = 0 : i64, scratch_operands = 2 : i64, tpu.core_type = #tpu.core_type<tc>, window_params = [{transform_indices = @transform_0, window_bounds = array<i64: 8, 1024, 128>}, {pipeline_mode = #tpu.pipeline_mode<synchronous>, transform_indices = @transform_1, window_bounds = array<i64: 128, 128>}, {pipeline_mode = #tpu.pipeline_mode<synchronous>, transform_indices = @transform_2, window_bounds = array<i64: 16, 128>}, {pipeline_mode = #tpu.pipeline_mode<synchronous>, transform_indices = @transform_3, window_bounds = array<i64: 16, 1>}, {transform_indices = @transform_4, window_bounds = array<i64: 1024, 128>}, {transform_indices = @transform_5, window_bounds = array<i64: 10, 8, 1024>}, {transform_indices = @transform_6, window_bounds = array<i64: 1024, 128>}]} {
    %eq3A = arith.constant 0 : i32
    %eq3A_0 = arith.cmpi eq, %arg1, %eq3A : i32
    %convert_element_type3A = arith.extui %eq3A_0 : i1 to i32
    %cond3A = arith.constant 0 : i32
    %cond3A_1 = arith.cmpi ne, %convert_element_type3A, %cond3A : i32
    scf.if %cond3A_1 {
      %get3A_50 = arith.constant 0 : index
      %get3A_51 = arith.constant 0 : index
      %get3A_52 = vector.load %arg6[%get3A_50, %get3A_51] : memref<1024x128xf32, #tpu.memory_space<vmem>>, vector<1024x128xf32>
      %swap3A_53 = arith.constant 0 : index
      %swap3A_54 = arith.constant 0 : index
      %swap3A_55 = vector.load %arg9[%swap3A_53, %swap3A_54] : memref<1024x128xf32, #tpu.memory_space<vmem>>, vector<1024x128xf32>
      tpu.vector_store %arg9[%swap3A_53, %swap3A_54], %get3A_52 {strides = array<i32>} : memref<1024x128xf32, #tpu.memory_space<vmem>>, vector<1024x128xf32>,
    } else {
    }
    %get3A = arith.constant 0 : index
    %get3A_2 = arith.constant 0 : index
    %get3A_3 = vector.load %arg3[%get3A, %get3A_2] : memref<128x128xf32, #tpu.memory_space<vmem>>, vector<128x128xf32>
    %get3A_4 = arith.constant 0 : index
    %get3A_5 = arith.constant 0 : index
    %get3A_6 = vector.load %arg9[%get3A_4, %get3A_5] : memref<1024x128xf32, #tpu.memory_space<vmem>>, vector<512x128xf32>
    %get3A_7 = arith.constant 512 : index
    %get3A_8 = arith.constant 0 : index
    %get3A_9 = vector.load %arg9[%get3A_7, %get3A_8] : memref<1024x128xf32, #tpu.memory_space<vmem>>, vector<512x128xf32>
    %scan3A = arith.constant 0 : i32
    %scan3A_10 = arith.constant 8 : i32
    %scan3A_11 = arith.addi %scan3A, %scan3A_10 : i32
    %scan3A_12 = arith.constant 1 : i32
    %scan3A_13:2 = scf.for %scan3A_50 = %scan3A to %scan3A_11 step %scan3A_12 iter_args(%scan3A_51 = %get3A_6, %scan3A_52 = %get3A_9) -> (vector<512x128xf32>, vector<512x128xf32>)  : i32 {
      %get3A_53 = arith.index_cast %scan3A_50 : i32 to index
      %get3A_54 = arith.constant 0 : index
      %get3A_55 = arith.constant 0 : index
      %get3A_56 = vector.load %arg2[%get3A_53, %get3A_54, %get3A_55] : memref<8x1024x128xf32, #tpu.memory_space<vmem>>, vector<1x1024x128xf32>
      %get3A_57 = vector.shape_cast %get3A_56 : vector<1x1024x128xf32> to vector<1024x128xf32>
      %slice3A_58 = vector.extract_strided_slice %get3A_57 {offsets = [0, 0], sizes = [512, 128], strides = [1, 1]} : vector<1024x128xf32> to vector<512x128xf32>
      %dot_general3A_59 = arith.constant dense<0.000000e+00> : vector<512x128xf32>
      %dot_general3A_60 = tpu.matmul %scan3A_51, %get3A_3, %dot_general3A_59 {dimension_numbers = #tpu.dot_dimension_numbers<[1], [0], [0], [1], [0, 0, 1, 1], [], []>, transpose_lhs_hint = false} : vector<512x128xf32>, vector<128x128xf32>, vector<512x128xf32> -> vector<512x128xf32>
      %add3A_61 = arith.addf %slice3A_58, %dot_general3A_60 : vector<512x128xf32>
      %tanh3A = math.tanh %add3A_61 : vector<512x128xf32>
      %slice3A_62 = vector.extract_strided_slice %get3A_57 {offsets = [512, 0], sizes = [512, 128], strides = [1, 1]} : vector<1024x128xf32> to vector<512x128xf32>
      %dot_general3A_63 = arith.constant dense<0.000000e+00> : vector<512x128xf32>
      %dot_general3A_64 = tpu.matmul %scan3A_52, %get3A_3, %dot_general3A_63 {dimension_numbers = #tpu.dot_dimension_numbers<[1], [0], [0], [1], [0, 0, 1, 1], [], []>, transpose_lhs_hint = false} : vector<512x128xf32>, vector<128x128xf32>, vector<512x128xf32> -> vector<512x128xf32>
      %add3A_65 = arith.addf %slice3A_62, %dot_general3A_64 : vector<512x128xf32>
      %tanh3A_66 = math.tanh %add3A_65 : vector<512x128xf32>
      %broadcast_in_dim3A_67 = vector.shape_cast %tanh3A : vector<512x128xf32> to vector<1x512x128xf32>
      %swap3A_68 = arith.index_cast %scan3A_50 : i32 to index
      %swap3A_69 = arith.constant 0 : index
      %swap3A_70 = arith.constant 0 : index
      %swap3A_71 = vector.load %arg10[%swap3A_68, %swap3A_69, %swap3A_70] : memref<8x1024x128xf32, #tpu.memory_space<vmem>>, vector<1x512x128xf32>
      tpu.vector_store %arg10[%swap3A_68, %swap3A_69, %swap3A_70], %broadcast_in_dim3A_67 {strides = array<i32>} : memref<8x1024x128xf32, #tpu.memory_space<vmem>>, vector<1x512x128xf32>,
      %broadcast_in_dim3A_72 = vector.shape_cast %tanh3A_66 : vector<512x128xf32> to vector<1x512x128xf32>
      %swap3A_73 = arith.index_cast %scan3A_50 : i32 to index
      %swap3A_74 = arith.constant 512 : index
      %swap3A_75 = arith.constant 0 : index
      %swap3A_76 = vector.load %arg10[%swap3A_73, %swap3A_74, %swap3A_75] : memref<8x1024x128xf32, #tpu.memory_space<vmem>>, vector<1x512x128xf32>
      tpu.vector_store %arg10[%swap3A_73, %swap3A_74, %swap3A_75], %broadcast_in_dim3A_72 {strides = array<i32>} : memref<8x1024x128xf32, #tpu.memory_space<vmem>>, vector<1x512x128xf32>,
      scf.yield %tanh3A, %tanh3A_66 : vector<512x128xf32>, vector<512x128xf32>
    }
    %scan3A_14 = arith.constant 8 : i32
    %swap3A = arith.constant 0 : index
    %swap3A_15 = arith.constant 0 : index
    %swap3A_16 = vector.load %arg9[%swap3A, %swap3A_15] : memref<1024x128xf32, #tpu.memory_space<vmem>>, vector<512x128xf32>
    tpu.vector_store %arg9[%swap3A, %swap3A_15], %scan3A_13#0 {strides = array<i32>} : memref<1024x128xf32, #tpu.memory_space<vmem>>, vector<512x128xf32>,
    %swap3A_17 = arith.constant 512 : index
    %swap3A_18 = arith.constant 0 : index
    %swap3A_19 = vector.load %arg9[%swap3A_17, %swap3A_18] : memref<1024x128xf32, #tpu.memory_space<vmem>>, vector<512x128xf32>
    tpu.vector_store %arg9[%swap3A_17, %swap3A_18], %scan3A_13#1 {strides = array<i32>} : memref<1024x128xf32, #tpu.memory_space<vmem>>, vector<512x128xf32>,
    %get3A_20 = arith.constant 0 : index
    %get3A_21 = arith.constant 0 : index
    %get3A_22 = arith.constant 0 : index
    %get3A_23 = vector.load %arg10[%get3A_20, %get3A_21, %get3A_22] : memref<8x1024x128xf32, #tpu.memory_space<vmem>>, vector<8x1024x128xf32>
    %reshape3A = vector.shape_cast %get3A_23 : vector<8x1024x128xf32> to vector<8192x128xf32>
    %get3A_24 = arith.constant 0 : index
    %get3A_25 = arith.constant 0 : index
    %get3A_26 = vector.load %arg4[%get3A_24, %get3A_25] : memref<16x128xf32, #tpu.memory_space<vmem>>, vector<16x128xf32>
    %dot_general3A = arith.constant dense<0.000000e+00> : vector<16x8192xf32>
    %dot_general3A_27 = tpu.matmul %get3A_26, %reshape3A, %dot_general3A {dimension_numbers = #tpu.dot_dimension_numbers<[1], [1], [0], [0], [0, 0, 1, 0], [], []>, transpose_lhs_hint = false} : vector<16x128xf32>, vector<8192x128xf32>, vector<16x8192xf32> -> vector<16x8192xf32>
    %get3A_28 = arith.constant 0 : index
    %get3A_29 = arith.constant 0 : index
    %get3A_30 = vector.load %arg5[%get3A_28, %get3A_29] : memref<16x1xf32, #tpu.memory_space<vmem>>, vector<16x1xf32>
    %add3A = vector.broadcast %get3A_30 : vector<16x1xf32> to vector<16x8192xf32>
    %add3A_31 = arith.addf %dot_general3A_27, %add3A : vector<16x8192xf32>
    %iota3A = tpu.iota {dimensions = array<i32: 0>} : vector<16x8192xi32>
    %lt3A = arith.constant 10 : i32
    %lt3A_32 = vector.broadcast %lt3A : i32 to vector<16x8192xi32>
    %lt3A_33 = arith.cmpi slt, %iota3A, %lt3A_32 : vector<16x8192xi32>
    %exp3A = math.exp %add3A_31 : vector<16x8192xf32>
    %jit3A = arith.constant 0.000000e+00 : f32
    %broadcast_in_dim3A = vector.broadcast %jit3A : f32 to vector<16x8192xf32>
    %select_n3A = arith.select %lt3A_33, %exp3A, %broadcast_in_dim3A : vector<16x8192xi1>, vector<16x8192xf32>
    %reduce_sum3A = arith.constant dense<0.000000e+00> : vector<8192xf32>
    %reduce_sum3A_34 = vector.multi_reduction <add>, %select_n3A, %reduce_sum3A [0] : vector<16x8192xf32> to vector<8192xf32>
    %broadcast_in_dim3A_35 = vector.shape_cast %reduce_sum3A_34 : vector<8192xf32> to vector<1x8192xf32>
    %div3A = arith.constant 1.000000e+00 : f32
    %div3A_36 = vector.broadcast %div3A : f32 to vector<1x8192xf32>
    %div3A_37 = arith.divf %div3A_36, %broadcast_in_dim3A_35 : vector<1x8192xf32>
    %mul3A = vector.broadcast %div3A_37 : vector<1x8192xf32> to vector<16x8192xf32>
    %mul3A_38 = arith.mulf %select_n3A, %mul3A : vector<16x8192xf32>
    %slice3A = vector.extract_strided_slice %mul3A_38 {offsets = [0, 0], sizes = [10, 8192], strides = [1, 1]} : vector<16x8192xf32> to vector<10x8192xf32>
    %reshape3A_39 = vector.shape_cast %slice3A : vector<10x8192xf32> to vector<10x8x1024xf32>
    %swap3A_40 = arith.constant 0 : index
    %swap3A_41 = arith.constant 0 : index
    %swap3A_42 = arith.constant 0 : index
    %swap3A_43 = vector.load %arg7[%swap3A_40, %swap3A_41, %swap3A_42] : memref<10x8x1024xf32, #tpu.memory_space<vmem>>, vector<10x8x1024xf32>
    tpu.vector_store %arg7[%swap3A_40, %swap3A_41, %swap3A_42], %reshape3A_39 {strides = array<i32>} : memref<10x8x1024xf32, #tpu.memory_space<vmem>>, vector<10x8x1024xf32>,
    %get3A_44 = arith.constant 0 : index
    %get3A_45 = arith.constant 0 : index
    %get3A_46 = vector.load %arg9[%get3A_44, %get3A_45] : memref<1024x128xf32, #tpu.memory_space<vmem>>, vector<1024x128xf32>
    %swap3A_47 = arith.constant 0 : index
    %swap3A_48 = arith.constant 0 : index
    %swap3A_49 = vector.load %arg8[%swap3A_47, %swap3A_48] : memref<1024x128xf32, #tpu.memory_space<vmem>>, vector<1024x128xf32>
    tpu.vector_store %arg8[%swap3A_47, %swap3A_48], %get3A_46 {strides = array<i32>} : memref<1024x128xf32, #tpu.memory_space<vmem>>, vector<1024x128xf32>,
    return
  }
  func.func @transform_0(%arg0: i32, %arg1: i32) -> (i32, i32, i32) {
    %c0_i32 = arith.constant 0 : i32
    %c0_i32_0 = arith.constant 0 : i32
    return %arg1, %arg0, %c0_i32 : i32, i32, i32
  }
  func.func @transform_1(%arg0: i32, %arg1: i32) -> (i32, i32) {
    %c0_i32 = arith.constant 0 : i32
    %c0_i32_0 = arith.constant 0 : i32
    %c0_i32_1 = arith.constant 0 : i32
    return %c0_i32, %c0_i32_0 : i32, i32
  }
  func.func @transform_2(%arg0: i32, %arg1: i32) -> (i32, i32) {
    %c0_i32 = arith.constant 0 : i32
    %c0_i32_0 = arith.constant 0 : i32
    %c0_i32_1 = arith.constant 0 : i32
    return %c0_i32, %c0_i32_0 : i32, i32
  }
  func.func @transform_3(%arg0: i32, %arg1: i32) -> (i32, i32) {
    %c0_i32 = arith.constant 0 : i32
    %c0_i32_0 = arith.constant 0 : i32
    %c0_i32_1 = arith.constant 0 : i32
    return %c0_i32, %c0_i32_0 : i32, i32
  }
  func.func @transform_4(%arg0: i32, %arg1: i32) -> (i32, i32) {
    %c0_i32 = arith.constant 0 : i32
    %c0_i32_0 = arith.constant 0 : i32
    return %arg0, %c0_i32 : i32, i32
  }
  func.func @transform_5(%arg0: i32, %arg1: i32) -> (i32, i32, i32) {
    %c0_i32 = arith.constant 0 : i32
    %c0_i32_0 = arith.constant 0 : i32
    return %c0_i32, %arg1, %arg0 : i32, i32, i32
  }
  func.func @transform_6(%arg0: i32, %arg1: i32) -> (i32, i32) {
    %c0_i32 = arith.constant 0 : i32
    %c0_i32_0 = arith.constant 0 : i32
    return %arg0, %c0_i32 : i32, i32
  }
}

</mosaic_0001>

<sc_bundles>
// kernel: kernel.10.cloned.1.call-start
scs
__scs_entry_jumppad:
0x0: {  	(pc) =	sbr.rel $0x88, $3  }
0x1: {  	(tag) =	ssettag $0x0;
	lr =	simm.s32 $0x1  }
0x2: {  	[smem:$0x3F9A] =	sst lr;
	_ =	strace $0xD0000000  }
0x3: {  	_ = 	snop  }
0x4: {  	_ = 	snop  }
0x5: {  	_ = 	snop  }
0x6: {  	_ = 	snop  }
0x7: {  	_ = 	snop  }
__scs_overlays_trampoline_lowered:
0x8: {  	[smem:$0x3FA9] =	sst s0  }
0x9: {  	[smem:$0x3FAA] =	sst s1  }
0xa: {  	[smem:$0x3FAB] =	sst s2  }
0xb: {  	[smem:$0x3FAC] =	sst s3  }
0xc: {  	[smem:$0x3FAD] =	sst s4  }
0xd: {  	[smem:$0x3FAE] =	sst s5  }
0xe: {  	[smem:$0x3FAF] =	sst s6  }
0xf: {  	[smem:$0x3FB0] =	sst s7  }
0x10: {  	[smem:$0x3FB1] =	sst s8  }
0x11: {  	[smem:$0x3FB2] =	sst s9;
	s0 =	simm.s32 @!p0 $0x0  }
0x12: {  	s1 =	sld [smem:$0x3F98];
	s0 =	simm.s32 @p0 $0x1  }
0x13: {  	[smem:$0x3FB3] =	sst s0;
	s0 =	simm.s32 @!p1 $0x0  }
0x14: {  	s2 =	sld [smem:$0x3F97];
	s0 =	simm.s32 @p1 $0x1  }
0x15: {  	[smem:$0x3FB4] =	sst s0;
	s0 =	simm.s32 @!p2 $0x0  }
0x16: {  	s3 =	sld [smem:$0x3FDB];
	s0 =	simm.s32 @p2 $0x1  }
0x17: {  	s4 =	simm.s32 $0x1BF5;
	[smem:$0x3FB6] =	sst s0  }
0x18: {  	s0 =	sld [smem:$0x3F99];
	_ =	swait.ge [sflag:s4], $0x0  }
0x19: {  	s7 =	sld [smem:$0x3F9A]  }
0x1a: {  	s8 =	sadd.s32 $0xFFFFE003, lr  }
0x1b: {  	s9 =	sadd.s32 $0xFFFFFEF7, lr;
	s5 =	simm.s32 $0xFFFFFFFF;
	p2 =	slt.u32 s8, $0xFFFFF086  }
0x1c: {  	p1 =	slt.u32 s9, $0xF7A;
	s5 =	simm.s32 @!p2 $0x0  }
0x1d: {  	s5 =	simm.s32 @p1 $0x1;
	p0 =	seq.s32 s7, s2  }
0x1e: {  	s7 =	smul.u32 @!p0 $0xF7A, s2;
	p2 =	seq.s32 @!p0 s5, $0x0  }
0x1f: {  	s9 =	smul.u32 $0xF7A, s1;
	s8 =	simm.s32 @!p0 $0x1BF5;
	p2 =	por !p2, p0  }
0x20: {  	[sflag:s8] =	ssyncset.s32 @!p0 $0xFFFFF086;
	s6 =	sadd.s32 @!p0 s3, s7;
	s7 =	simm.s32 @!p0 $0x108  }
0x21: {  	s3 =	sadd.s32 s3, s9;
	s6 =	sadd.s32 @!p0 $0x88, s6;
	s7 =	simm.s32 @p2 $0x1082  }
0x22: {  	[simem:s7], [sflag:s8] =	dma.local @!p0 [hbm:s6], $0xF7A  }
0x23: {  	s9 =	sor.u32 $0xD0000000, s2;
	s6 =	simm.s32 $0x108;
	_ =	swait.ge @!p0 [sflag:s8], $0x0  }
0x24: {  	s3 =	sadd.s32 $0x88, s3;
	s6 =	simm.s32 @!p1 $0x1082;
	[sflag:s4] =	ssyncset.s32 $0xFFFFF086  }
0x25: {  	[simem:s6], [sflag:s4] =	dma.local [hbm:s3], $0xF7A  }
0x26: {  	[smem:$0x3F9A] =	sst s1;
	(tag) =	ssettag s2;
	_ =	strace s9  }
0x27: {  	s1 =	sld [smem:$0x3FAA]  }
0x28: {  	s2 =	sld [smem:$0x3FAB]  }
0x29: {  	s4 =	sld [smem:$0x3FAD]  }
0x2a: {  	p0 =	seq.s32 s5, $0x0;
	s5 =	sld [smem:$0x3FAE]  }
0x2b: {  	s6 =	sld [smem:$0x3FAF]  }
0x2c: {  	s7 =	sld [smem:$0x3FB0]  }
0x2d: {  	s3 =	simm.s32 $0x108;
	s8 =	sld [smem:$0x3FB1]  }
0x2e: {  	s3 =	simm.s32 @!p0 $0x1082;
	s9 =	sld [smem:$0x3FB2]  }
0x2f: {  	lr =	sadd.s32 s0, s3;
	s0 =	sld [smem:$0x3FA9]  }
0x30: {  	s3 =	sld [smem:$0x3FAC]  }
0x31: {  	[smem:$0x3FB5] =	sst s10  }
0x32: {  	s10 =	sld [smem:$0x3FB3];
	_ =	sdelay $0x3  }
0x33: {  	p0 =	seq.s32 s10, $0x1;
	s10 =	sld [smem:$0x3FB5];
	_ =	sdelay $0x3  }
0x34: {  	[smem:$0x3FB5] =	sst s10  }
0x35: {  	s10 =	sld [smem:$0x3FB4];
	_ =	sdelay $0x3  }
0x36: {  	p1 =	seq.s32 s10, $0x1;
	s10 =	sld [smem:$0x3FB5];
	_ =	sdelay $0x3  }
0x37: {  	[smem:$0x3FB5] =	sst s10  }
0x38: {  	s10 =	sld [smem:$0x3FB6]  }
0x39: {  	_ = 	snop;
	(pc) =	sbr.ind lr, $3  }
0x3a: {  	_ = 	snop  }
0x3b: {  	_ = 	snop  }
0x3c: {  	p2 =	seq.s32 s10, $0x1;
	s10 =	sld [smem:$0x3FB5]  }
0x3d: {  	_ =	shalt  }
0x3e: {  	_ =	shalt  }
0x3f: {  	_ =	shalt  }
0x40: {  	_ =	shalt  }
0x41: {  	_ =	shalt  }
0x42: {  	_ =	shalt  }
0x43: {  	_ =	shalt  }
0x44: {  	_ =	shalt  }
0x45: {  	_ =	shalt  }
0x46: {  	_ =	shalt  }
0x47: {  	_ =	shalt  }
0x48: {  	_ =	shalt  }
0x49: {  	_ =	shalt  }
0x4a: {  	_ =	shalt  }
0x4b: {  	_ =	shalt  }
0x4c: {  	_ =	shalt  }
0x4d: {  	_ =	shalt  }
0x4e: {  	_ =	shalt  }
0x4f: {  	_ =	shalt  }
0x50: {  	_ =	shalt  }
0x51: {  	_ =	shalt  }
0x52: {  	_ =	shalt  }
0x53: {  	_ =	shalt  }
0x54: {  	_ =	shalt  }
0x55: {  	_ =	shalt  }
0x56: {  	_ =	shalt  }
0x57: {  	_ =	shalt  }
0x58: {  	_ =	shalt  }
0x59: {  	_ =	shalt  }
0x5a: {  	_ =	shalt  }
0x5b: {  	_ =	shalt  }
0x5c: {  	_ =	shalt  }
0x5d: {  	_ =	shalt  }
0x5e: {  	_ =	shalt  }
0x5f: {  	_ =	shalt  }
0x60: {  	_ =	shalt  }
0x61: {  	_ =	shalt  }
0x62: {  	_ =	shalt  }
0x63: {  	_ =	shalt  }
0x64: {  	_ =	shalt  }
0x65: {  	_ =	shalt  }
0x66: {  	_ =	shalt  }
0x67: {  	_ =	shalt  }
0x68: {  	_ =	shalt  }
0x69: {  	_ =	shalt  }
0x6a: {  	_ =	shalt  }
0x6b: {  	_ =	shalt  }
0x6c: {  	_ =	shalt  }
0x6d: {  	_ =	shalt  }
0x6e: {  	_ =	shalt  }
0x6f: {  	_ =	shalt  }
0x70: {  	_ =	shalt  }
0x71: {  	_ =	shalt  }
0x72: {  	_ =	shalt  }
0x73: {  	_ =	shalt  }
0x74: {  	_ =	shalt  }
0x75: {  	_ =	shalt  }
0x76: {  	_ =	shalt  }
0x77: {  	_ =	shalt  }
0x78: {  	_ =	shalt  }
0x79: {  	_ =	shalt  }
0x7a: {  	_ =	shalt  }
0x7b: {  	_ =	shalt  }
0x7c: {  	_ =	shalt  }
0x7d: {  	_ =	shalt  }
0x7e: {  	_ =	shalt  }
0x7f: {  	_ =	shalt  }
0x80: {  	_ =	shalt  }
0x81: {  	_ =	shalt  }
0x82: {  	_ =	shalt  }
0x83: {  	_ =	shalt  }
0x84: {  	_ =	shalt  }
0x85: {  	_ =	shalt  }
0x86: {  	_ =	shalt  }
0x87: {  	_ =	shalt  }
.Lfunc_end0:
.L_simem_size_0:
called_computation.1_lowered:
.L_overlay_start_0:
0x88: {  	s2 =	sld [smem:$0x3FD9]  }
0x89: {  	s3 =	sld [smem:$0x3FFE];
	_ =	sdelay $0x1  }
0x8a: {  	s1 =	srdreg.scid  }
0x8b: {  	s0 =	sand.u32 $0x1, s1  }
0x8c: {  	s17 =	sshll.u32 s0, $0xA;
	s2 =	sadd.s32 s3, s2  }
0x8d: {  	s2 =	sadd.s32 s2, s17  }
0x8e: {  	[smem:$0x3FC1] =	sst s2  }
0x8f: {  	_ = 	snop  }
0x90: {  	(tm) =	ssettm $0x1  }
0x91: {  	s18 =	sld [smem:$0x3FFB];
	_ =	sdelay $0x3  }
0x92: {  	_ =	strace s18  }
0x93: {  	s2 =	sld [smem:$0x3FFC];
	_ =	sdelay $0x3  }
0x94: {  	_ =	strace s2  }
0x95: {  	s2 =	sld [smem:$0x3FFD];
	_ =	sdelay $0x3  }
0x96: {  	_ =	strace s2  }
0x97: {  	_ =	strace $0x8FFFFFFF  }
0x98: {  	s19 =	sld [smem:$0x3FDB];
	_ =	sdelay $0x1  }
0x99: {  	s20 =	simm.s32 $_scs_section_size  }
0x9a: {  	s4 =	simm.s32 $_size__tile_overlayer_lowered;
	s5 =	simm.s32 $_tile_overlayer_lowered  }
0x9b: {  	s6 =	simm.s32 $0x1BFF;
	s21 =	sshll.u32 s5, $0x1;
	s3 =	sadd.s32 s20, s19  }
0x9c: {  	s22 =	simm.s32 $0x0;
	s4 =	sshll.u32 s4, $0x1;
	s5 =	sadd.s32 s21, s3  }
0x9d: {  	[timem:s22], [sflag:s6] =	dma.local [hbm:s5], s4  }
0x9e: {  	_ =	swait.ge [sflag:s6], s4  }
0x9f: {  	s4 =	ssub.s32 $0x0, s4;
	[sflag:s6] =	ssyncset.done $0x0  }
0xa0: {  	[sflag:s6] =	ssyncadd.s32 s4;
	_ =	sdelay $0x1  }
0xa1: {  	s23 =	simm.s32 $0x1B8B  }
0xa2: {  	_ =	swait.ge [sflag:s23], $0x1  }
0xa3: {  	[sflag:s23] =	ssyncset.done $0x0  }
0xa4: {  	[sflag:s23] =	ssyncadd.s32 $0xFFFFFFFF  }
0xa5: {  	s4 =	sld [smem:$0x0]  }
0xa6: {  	s5 =	sand.u32 $0xFFFFFFFE, s1  }
0xa7: {  	p0 =	sne.s32 s1, s5  }
0xa8: {  	s5 =	sshll.u32 @p0 s5, $0xE  }
0xa9: {  	s5 =	sadd.s32 @p0 $0x11B8D, s5;
	s6 =	sshll.u32 @p0 s4, $0x11  }
0xaa: {  	s5 =	sor.u32 @p0 s6, s5  }
0xab: {  	[sflag:s5] =	ssyncadd.remote.s32 @p0 $0x1;
	_ =	sdelay $0x1  }
0xac: {  	s5 =	simm.s32 @p0 $0x1B8D  }
0xad: {  	_ =	swait.eq @p0 [sflag:s5], $0x1  }
0xae: {  	[sflag:s5] =	ssyncadd.s32 @p0 $0xFFFFFFFF  }
0xaf: {  	s6 =	sshll.u32 @!p0 s1, $0xE  }
0xb0: {  	s6 =	sor.u32 @!p0 $0x4000, s6;
	s5 =	simm.s32 @!p0 $0x1B8D  }
0xb1: {  	s4 =	sshll.u32 @!p0 s4, $0x11;
	s6 =	sadd.s32 @!p0 $0x11B8D, s6;
	_ =	swait.eq @!p0 [sflag:s5], $0x1  }
0xb2: {  	s4 =	sor.u32 @!p0 s4, s6;
	[sflag:s5] =	ssyncadd.s32 @!p0 $0xFFFFFFFF  }
0xb3: {  	s25 =	simm.s32 $0x1B8E;
	s24 =	sld [smem:$0x3FFE];
	[sflag:s4] =	ssyncadd.remote.s32 @!p0 $0x1  }
0xb4: {  	s26 =	simm.s32 $execute0_lowered;
	[smem:$0x3FD2] =	sst s25  }
0xb5: {  	s5 =	sshll.u32 s26, $0x1;
	_ =	strace $0x80000049;
	[dreg:$0x1] =	wrdreg $0xFFFFFFFF  }
0xb6: {  	s28 =	simm.s32 $_size_execute0_lowered;
	s3 =	sadd.s32 s3, s5;
	[dreg:$0x0] =	wrdreg $0x0  }
0xb7: {  	s5 =	sshll.u32 s28, $0x1;
	[dreg:$0x2] =	wrdreg s3  }
0xb8: {  	[dreg:$0x3] =	wrdreg s5  }
0xb9: {  	[dreg:$0x4] =	wrdreg $0xC0  }
0xba: {  	_ =	task [dreg:s22], $0x5FFFF  }
0xbb: {  	[dreg:$0x1] =	wrdreg $0xFFFFFFFF  }
0xbc: {  	[dreg:$0x0] =	wrdreg $0x60  }
0xbd: {  	[dreg:$0x2] =	wrdreg s24  }
0xbe: {  	[dreg:$0x3] =	wrdreg $0xA  }
0xbf: {  	_ =	task.clear_ibuf [dreg:s22], $0x4FFFF;
	_ =	strace $0x90000049  }
0xc0: {  	s29 =	simm.s32 $0xA;
	_ =	strace $0x8000004B  }
0xc1: {  	_ =	swait.ge [sflag:s29], $0x1  }
0xc2: {  	[sflag:s29] =	ssyncadd.s32 $0xFFFFFFFF  }
0xc3: {  	_ =	strace $0x9000004B  }
0xc4: {  	_ =	sfence  }
0xc5: {  	s30 =	sld [smem:$0x0];
	_ =	sdelay $0x2  }
0xc6: {  	s31 =	sshll.u32 s1, $0xD;
	s1 =	sshrl.u32 s1, $0x2  }
0xc7: {  	s4 =	sand.u32 $0x4000, s31;
	s1 =	sadd.s32 s1, s30  }
0xc8: {  	s0 =	sor.u32 s4, s0;
	s1 =	sshll.u32 s1, $0x11  }
0xc9: {  	s0 =	sor.u32 s1, s0  }
0xca: {  	s0 =	sadd.s32 $0x8F2B, s0  }
0xcb: {  	[sflag:s0] =	ssyncadd.remote.s32 $0x1  }
0xcc: {  	_ =	sfence.sel $0xFFFF  }
0xcd: {  	[dreg:$0x0] =	wrdreg $0xFFFFFFFF;
	(pc) =	sbr.abs _section_cstart, $3  }
0xce: {  	[dreg:$0x1] =	wrdreg $0xFFFFFFFF  }
0xcf: {  	_ =	task.clear_ibuf [dreg:s22], $0x2FFFF;
	_ =	strace $0x9FFFFFFF  }
0xd0: {  	(tm) =	ssettm $0x7FFFFFFF  }
0xd1: {  	_ =	shalt  }
tec
execute0_lowered:
.L_overlay_start_1:
0x0: {  	(tag) =	ssettag $0x1  }
0x1: {  	s1 =	srdreg.scid;
	s0 =	stileid.u32  }
0x2: {  	s18 =	sand.u32 $0x1, s1;
	s26 =	sshll.u32 s0, $0x1  }
0x3: {  	s8 =	sor.u32 s18, s26  }
0x4: {  	s9 =	rddreg [dreg:$0x0];
	s19 =	smul.u32 $0xC00, s8  }
0x5: {  	s2 =	simm.s32 $0x0;
	s1 =	rddreg [dreg:$0x1]  }
0x6: {  	[smem:$0x7FF] =	sst s2;
	s17 =	sadd.s32 $0x331000, s9;
	s3 =	sshrl.u32 s19, $0x3  }
0x7: {  	_ =	strace $0x8000004A;
	s4 =	sadd.s32 s17, s3;
	s3 =	simm.s32 $0x2  }
0x8: {  	[tilespmem:s2], [sflag:$0x2] =	stream.linear.gather [hbm4b:s4+s2], $0x200, $0x38;
	[tilespmem:$0x10200] =	vst v63  }
0x9: {  	_ =	swait.ge [sflag:s3], $0x200  }
0xa: {  	s6 =	simm.s32 $0x200;
	[sflag:s3] =	ssyncset.done $0x0  }
0xb: {  	s7 =	simm.s32 $0x1;
	s5 =	sadd.s32 $0x1000, s9;
	[sflag:s3] =	ssyncadd.s32 $0xFFFFFE00  }
0xc: {  	[tilespmem:s6], [sflag:$0x1] =	stream.indirect.gather [hbm4b:s5+s6], $0x80, s2, s6, $0xb8;
	[tilespmem:$0x10200] =	vst v63  }
0xd: {  	s8 =	smul.u32 $0xC000, s8;
	_ =	swait.ge [sflag:s7], $0x10000  }
0xe: {  	s20 =	sadd.s32 $0x334000, s9;
	[sflag:s7] =	ssyncset.done $0x0  }
0xf: {  	s8 =	sadd.s32 s20, s8;
	[sflag:s7] =	ssyncadd.s32 $0xFFFF0000  }
0x10: {  	[hbm4b:s8+s2] =	stream.linear.scatter [tilespmem:s6], [sflag:$0x2], $0x10000, $0x38;
	[tilespmem:$0x10200] =	vst v63  }
0x11: {  	s10 =	sor.u32 $0x200, s19;
	_ =	swait.ge [sflag:s3], $0x10000  }
0x12: {  	s28 =	sshrl.u32 s10, $0x3;
	[sflag:s3] =	ssyncset.done $0x0  }
0x13: {  	s9 =	sadd.s32 s17, s28;
	[sflag:s3] =	ssyncadd.s32 $0xFFFF0000  }
0x14: {  	[tilespmem:s2], [sflag:$0x2] =	stream.linear.gather [hbm4b:s9+s2], $0x200, $0x38;
	[tilespmem:$0x10200] =	vst v63  }
0x15: {  	_ =	swait.ge [sflag:s3], $0x200  }
0x16: {  	[sflag:s3] =	ssyncset.done $0x0  }
0x17: {  	[sflag:s3] =	ssyncadd.s32 $0xFFFFFE00  }
0x18: {  	[tilespmem:s6], [sflag:$0x1] =	stream.indirect.gather [hbm4b:s5+s6], $0x80, s2, s6, $0xb8;
	[tilespmem:$0x10200] =	vst v63  }
0x19: {  	_ =	swait.ge [sflag:s7], $0x10000  }
0x1a: {  	s10 =	sshll.u32 s10, $0x4;
	[sflag:s7] =	ssyncset.done $0x0  }
0x1b: {  	s10 =	sadd.s32 s20, s10;
	[sflag:s7] =	ssyncadd.s32 $0xFFFF0000  }
0x1c: {  	[hbm4b:s10+s2] =	stream.linear.scatter [tilespmem:s6], [sflag:$0x2], $0x10000, $0x38;
	[tilespmem:$0x10200] =	vst v63  }
0x1d: {  	s12 =	sadd.s32 $0x400, s19;
	_ =	swait.ge [sflag:s3], $0x10000  }
0x1e: {  	s11 =	sshrl.u32 s12, $0x3;
	[sflag:s3] =	ssyncset.done $0x0  }
0x1f: {  	s11 =	sadd.s32 s17, s11;
	[sflag:s3] =	ssyncadd.s32 $0xFFFF0000  }
0x20: {  	[tilespmem:s2], [sflag:$0x2] =	stream.linear.gather [hbm4b:s11+s2], $0x200, $0x38;
	[tilespmem:$0x10200] =	vst v63  }
0x21: {  	_ =	swait.ge [sflag:s3], $0x200  }
0x22: {  	[sflag:s3] =	ssyncset.done $0x0  }
0x23: {  	[sflag:s3] =	ssyncadd.s32 $0xFFFFFE00  }
0x24: {  	[tilespmem:s6], [sflag:$0x1] =	stream.indirect.gather [hbm4b:s5+s6], $0x80, s2, s6, $0xb8;
	[tilespmem:$0x10200] =	vst v63  }
0x25: {  	_ =	swait.ge [sflag:s7], $0x10000  }
0x26: {  	s12 =	sshll.u32 s12, $0x4;
	[sflag:s7] =	ssyncset.done $0x0  }
0x27: {  	s12 =	sadd.s32 s20, s12;
	[sflag:s7] =	ssyncadd.s32 $0xFFFF0000  }
0x28: {  	[hbm4b:s12+s2] =	stream.linear.scatter [tilespmem:s6], [sflag:$0x2], $0x10000, $0x38;
	[tilespmem:$0x10200] =	vst v63  }
0x29: {  	s14 =	sadd.s32 $0x600, s19;
	_ =	swait.ge [sflag:s3], $0x10000  }
0x2a: {  	s13 =	sshrl.u32 s14, $0x3;
	[sflag:s3] =	ssyncset.done $0x0  }
0x2b: {  	s13 =	sadd.s32 s17, s13;
	[sflag:s3] =	ssyncadd.s32 $0xFFFF0000  }
0x2c: {  	[tilespmem:s2], [sflag:$0x2] =	stream.linear.gather [hbm4b:s13+s2], $0x200, $0x38;
	[tilespmem:$0x10200] =	vst v63  }
0x2d: {  	_ =	swait.ge [sflag:s3], $0x200  }
0x2e: {  	[sflag:s3] =	ssyncset.done $0x0  }
0x2f: {  	[sflag:s3] =	ssyncadd.s32 $0xFFFFFE00  }
0x30: {  	[tilespmem:s6], [sflag:$0x1] =	stream.indirect.gather [hbm4b:s5+s6], $0x80, s2, s6, $0xb8;
	[tilespmem:$0x10200] =	vst v63  }
0x31: {  	_ =	swait.ge [sflag:s7], $0x10000  }
0x32: {  	s14 =	sshll.u32 s14, $0x4;
	[sflag:s7] =	ssyncset.done $0x0  }
0x33: {  	s14 =	sadd.s32 s20, s14;
	[sflag:s7] =	ssyncadd.s32 $0xFFFF0000  }
0x34: {  	[hbm4b:s14+s2] =	stream.linear.scatter [tilespmem:s6], [sflag:$0x2], $0x10000, $0x38;
	[tilespmem:$0x10200] =	vst v63  }
0x35: {  	s16 =	sadd.s32 $0x800, s19;
	_ =	swait.ge [sflag:s3], $0x10000  }
0x36: {  	s15 =	sshrl.u32 s16, $0x3;
	[sflag:s3] =	ssyncset.done $0x0  }
0x37: {  	s15 =	sadd.s32 s17, s15;
	[sflag:s3] =	ssyncadd.s32 $0xFFFF0000  }
0x38: {  	[tilespmem:s2], [sflag:$0x2] =	stream.linear.gather [hbm4b:s15+s2], $0x200, $0x38;
	[tilespmem:$0x10200] =	vst v63  }
0x39: {  	_ =	swait.ge [sflag:s3], $0x200  }
0x3a: {  	[sflag:s3] =	ssyncset.done $0x0  }
0x3b: {  	[sflag:s3] =	ssyncadd.s32 $0xFFFFFE00  }
0x3c: {  	[tilespmem:s6], [sflag:$0x1] =	stream.indirect.gather [hbm4b:s5+s6], $0x80, s2, s6, $0xb8;
	[tilespmem:$0x10200] =	vst v63  }
0x3d: {  	_ =	swait.ge [sflag:s7], $0x10000  }
0x3e: {  	s16 =	sshll.u32 s16, $0x4;
	[sflag:s7] =	ssyncset.done $0x0  }
0x3f: {  	s16 =	sadd.s32 s20, s16;
	[sflag:s7] =	ssyncadd.s32 $0xFFFF0000  }
0x40: {  	[hbm4b:s16+s2] =	stream.linear.scatter [tilespmem:s6], [sflag:$0x2], $0x10000, $0x38;
	[tilespmem:$0x10200] =	vst v63  }
0x41: {  	s19 =	sadd.s32 $0xA00, s19;
	_ =	swait.ge [sflag:s3], $0x10000  }
0x42: {  	s21 =	sshrl.u32 s19, $0x3;
	[sflag:s3] =	ssyncset.done $0x0  }
0x43: {  	s18 =	ssub.s32 $0x2, s18;
	s17 =	sadd.s32 s17, s21;
	[sflag:s3] =	ssyncadd.s32 $0xFFFF0000  }
0x44: {  	[tilespmem:s2], [sflag:$0x2] =	stream.linear.gather [hbm4b:s17+s2], $0x200, $0x38;
	[tilespmem:$0x10200] =	vst v63  }
0x45: {  	s29 =	sshrl.u32 s18, $0x1;
	_ =	swait.ge [sflag:s3], $0x200  }
0x46: {  	s21 =	ssub.s32 s18, s29;
	[sflag:s3] =	ssyncset.done $0x0  }
0x47: {  	s31 =	smax.u32 s21, $0x1;
	[sflag:s3] =	ssyncadd.s32 $0xFFFFFE00  }
0x48: {  	[tilespmem:s6], [sflag:$0x1] =	stream.indirect.gather [hbm4b:s5+s6], $0x80, s2, s6, $0xb8;
	[tilespmem:$0x10200] =	vst v63  }
0x49: {  	p0 =	sne.s32 s31, $0x1;
	_ =	swait.ge [sflag:s7], $0x10000  }
.Ltmp0:
0x4a: {  	s30 =	sshll.u32 s19, $0x4;
	[sflag:s7] =	ssyncset.done $0x0;
	(pc) =	sbr.rel @!p0 .LBB2_2-.Ltmp0, $4  }
0x4b: {  	s18 =	sadd.s32 s20, s30;
	[sflag:s7] =	ssyncadd.s32 $0xFFFF0000  }
0x4c: {  	[hbm4b:s18+s2] =	stream.linear.scatter [tilespmem:s6], [sflag:$0x2], $0x10000, $0x38;
	[tilespmem:$0x10200] =	vst v63  }
0x4d: {  	_ =	swait.ge [sflag:s3], $0x10000  }
0x4e: {  	s19 =	sadd.s32 $0xFFFFFFFF, s31;
	[sflag:s3] =	ssyncset.done $0x0  }
.LBB2_1:
0x4f: {  	p0 =	sne.s32 s19, $0x1;
	s19 =	sadd.s32 $0xFFFFFFFF, s19;
	[sflag:s3] =	ssyncadd.s32 $0xFFFF0000  }
0x50: {  	[tilespmem:s2], [sflag:$0x2] =	stream.linear.gather [hbm4b:s4+s2], $0x200, $0x38;
	[tilespmem:$0x10200] =	vst v63  }
0x51: {  	_ =	swait.ge [sflag:s3], $0x200  }
0x52: {  	[sflag:s3] =	ssyncset.done $0x0  }
0x53: {  	[sflag:s3] =	ssyncadd.s32 $0xFFFFFE00  }
0x54: {  	[tilespmem:s6], [sflag:$0x1] =	stream.indirect.gather [hbm4b:s5+s6], $0x80, s2, s6, $0xb8;
	[tilespmem:$0x10200] =	vst v63  }
0x55: {  	_ =	swait.ge [sflag:s7], $0x10000  }
0x56: {  	[sflag:s7] =	ssyncset.done $0x0  }
0x57: {  	[sflag:s7] =	ssyncadd.s32 $0xFFFF0000  }
0x58: {  	[hbm4b:s8+s2] =	stream.linear.scatter [tilespmem:s6], [sflag:$0x2], $0x10000, $0x38;
	[tilespmem:$0x10200] =	vst v63  }
0x59: {  	_ =	swait.ge [sflag:s3], $0x10000  }
0x5a: {  	[sflag:s3] =	ssyncset.done $0x0  }
0x5b: {  	[sflag:s3] =	ssyncadd.s32 $0xFFFF0000  }
0x5c: {  	[tilespmem:s2], [sflag:$0x2] =	stream.linear.gather [hbm4b:s9+s2], $0x200, $0x38;
	[tilespmem:$0x10200] =	vst v63  }
0x5d: {  	_ =	swait.ge [sflag:s3], $0x200  }
0x5e: {  	[sflag:s3] =	ssyncset.done $0x0  }
0x5f: {  	[sflag:s3] =	ssyncadd.s32 $0xFFFFFE00  }
0x60: {  	[tilespmem:s6], [sflag:$0x1] =	stream.indirect.gather [hbm4b:s5+s6], $0x80, s2, s6, $0xb8;
	[tilespmem:$0x10200] =	vst v63  }
0x61: {  	_ =	swait.ge [sflag:s7], $0x10000  }
0x62: {  	[sflag:s7] =	ssyncset.done $0x0  }
0x63: {  	[sflag:s7] =	ssyncadd.s32 $0xFFFF0000  }
0x64: {  	[hbm4b:s10+s2] =	stream.linear.scatter [tilespmem:s6], [sflag:$0x2], $0x10000, $0x38;
	[tilespmem:$0x10200] =	vst v63  }
0x65: {  	_ =	swait.ge [sflag:s3], $0x10000  }
0x66: {  	[sflag:s3] =	ssyncset.done $0x0  }
0x67: {  	[sflag:s3] =	ssyncadd.s32 $0xFFFF0000  }
0x68: {  	[tilespmem:s2], [sflag:$0x2] =	stream.linear.gather [hbm4b:s11+s2], $0x200, $0x38;
	[tilespmem:$0x10200] =	vst v63  }
0x69: {  	_ =	swait.ge [sflag:s3], $0x200  }
0x6a: {  	[sflag:s3] =	ssyncset.done $0x0  }
0x6b: {  	[sflag:s3] =	ssyncadd.s32 $0xFFFFFE00  }
0x6c: {  	[tilespmem:s6], [sflag:$0x1] =	stream.indirect.gather [hbm4b:s5+s6], $0x80, s2, s6, $0xb8;
	[tilespmem:$0x10200] =	vst v63  }
0x6d: {  	_ =	swait.ge [sflag:s7], $0x10000  }
0x6e: {  	[sflag:s7] =	ssyncset.done $0x0  }
0x6f: {  	[sflag:s7] =	ssyncadd.s32 $0xFFFF0000  }
0x70: {  	[hbm4b:s12+s2] =	stream.linear.scatter [tilespmem:s6], [sflag:$0x2], $0x10000, $0x38;
	[tilespmem:$0x10200] =	vst v63  }
0x71: {  	_ =	swait.ge [sflag:s3], $0x10000  }
0x72: {  	[sflag:s3] =	ssyncset.done $0x0  }
0x73: {  	[sflag:s3] =	ssyncadd.s32 $0xFFFF0000  }
0x74: {  	[tilespmem:s2], [sflag:$0x2] =	stream.linear.gather [hbm4b:s13+s2], $0x200, $0x38;
	[tilespmem:$0x10200] =	vst v63  }
0x75: {  	_ =	swait.ge [sflag:s3], $0x200  }
0x76: {  	[sflag:s3] =	ssyncset.done $0x0  }
0x77: {  	[sflag:s3] =	ssyncadd.s32 $0xFFFFFE00  }
0x78: {  	[tilespmem:s6], [sflag:$0x1] =	stream.indirect.gather [hbm4b:s5+s6], $0x80, s2, s6, $0xb8;
	[tilespmem:$0x10200] =	vst v63  }
0x79: {  	_ =	swait.ge [sflag:s7], $0x10000  }
0x7a: {  	[sflag:s7] =	ssyncset.done $0x0  }
0x7b: {  	[sflag:s7] =	ssyncadd.s32 $0xFFFF0000  }
0x7c: {  	[hbm4b:s14+s2] =	stream.linear.scatter [tilespmem:s6], [sflag:$0x2], $0x10000, $0x38;
	[tilespmem:$0x10200] =	vst v63  }
0x7d: {  	_ =	swait.ge [sflag:s3], $0x10000  }
0x7e: {  	[sflag:s3] =	ssyncset.done $0x0  }
0x7f: {  	[sflag:s3] =	ssyncadd.s32 $0xFFFF0000  }
0x80: {  	[tilespmem:s2], [sflag:$0x2] =	stream.linear.gather [hbm4b:s15+s2], $0x200, $0x38;
	[tilespmem:$0x10200] =	vst v63  }
0x81: {  	_ =	swait.ge [sflag:s3], $0x200  }
0x82: {  	[sflag:s3] =	ssyncset.done $0x0  }
0x83: {  	[sflag:s3] =	ssyncadd.s32 $0xFFFFFE00  }
0x84: {  	[tilespmem:s6], [sflag:$0x1] =	stream.indirect.gather [hbm4b:s5+s6], $0x80, s2, s6, $0xb8;
	[tilespmem:$0x10200] =	vst v63  }
0x85: {  	_ =	swait.ge [sflag:s7], $0x10000  }
0x86: {  	[sflag:s7] =	ssyncset.done $0x0  }
0x87: {  	[sflag:s7] =	ssyncadd.s32 $0xFFFF0000  }
0x88: {  	[hbm4b:s16+s2] =	stream.linear.scatter [tilespmem:s6], [sflag:$0x2], $0x10000, $0x38;
	[tilespmem:$0x10200] =	vst v63  }
0x89: {  	_ =	swait.ge [sflag:s3], $0x10000  }
0x8a: {  	[sflag:s3] =	ssyncset.done $0x0  }
0x8b: {  	[sflag:s3] =	ssyncadd.s32 $0xFFFF0000  }
0x8c: {  	[tilespmem:s2], [sflag:$0x2] =	stream.linear.gather [hbm4b:s17+s2], $0x200, $0x38;
	[tilespmem:$0x10200] =	vst v63  }
0x8d: {  	_ =	swait.ge [sflag:s3], $0x200  }
0x8e: {  	[sflag:s3] =	ssyncset.done $0x0  }
0x8f: {  	[sflag:s3] =	ssyncadd.s32 $0xFFFFFE00  }
0x90: {  	[tilespmem:s6], [sflag:$0x1] =	stream.indirect.gather [hbm4b:s5+s6], $0x80, s2, s6, $0xb8;
	[tilespmem:$0x10200] =	vst v63  }
0x91: {  	_ =	swait.ge [sflag:s7], $0x10000  }
.Ltmp1:
0x92: {  	[sflag:s7] =	ssyncset.done $0x0;
	(pc) =	sbr.rel @p0 .LBB2_1-.Ltmp1, $4  }
0x93: {  	[sflag:s7] =	ssyncadd.s32 $0xFFFF0000  }
0x94: {  	[hbm4b:s18+s2] =	stream.linear.scatter [tilespmem:s6], [sflag:$0x2], $0x10000, $0x38;
	[tilespmem:$0x10200] =	vst v63  }
0x95: {  	_ =	swait.ge [sflag:s3], $0x10000  }
0x96: {  	[sflag:s3] =	ssyncset.done $0x0  }
.LBB2_2:
0x97: {  	[sflag:s3] =	ssyncadd.s32 $0xFFFF0000  }
0x98: {  	_ =	sfence.sel $0x180000  }
0x99: {  	[bflag:$0x0] =	sbarrier.arrive $0xFFFF  }
0x9a: {  	p0 =	sne.s32 s0, $0x0;
	_ =	strace $0x9000004A  }
0x9b: {  	s0 =	sadd.s32 @!p0 $0x100000, s1;
	[bflag:$0x2] =	sbarrier.arrive $0xFFFF  }
0x9c: {  	[sflag:s0] =	ssyncadd.tile.s32 @!p0 $0x1;
	_ =	shalt  }
.Lfunc_end2:
_tile_overlayer_lowered:
.L_overlay_start_2:
0x9d: {  	(tag) =	ssettag $0x2  }
0x9e: {  	s0 =	rddreg [dreg:$0x0];
	s2 =	stileid.u32  }
0x9f: {  	s1 =	rddreg [dreg:$0x1];
	p0 =	sne.s32 s2, $0x0  }
0xa0: {  	s3 =	rddreg [dreg:$0x2];
	[bflag:$0x3] =	sbarrier.arrive $0xFFFF;
	s2 =	simm.s32 @!p0 $0x1C02  }
0xa1: {  	[timem:s3], [sflag:s2] =	dma.local @!p0 [hbm:s0], s1  }
0xa2: {  	s0 =	simm.s32 @!p0 $0x2  }
0xa3: {  	_ =	swait.ge @!p0 [sflag:s0], s1  }
0xa4: {  	s1 =	ssub.s32 @!p0 $0x0, s1;
	[sflag:s0] =	ssyncset.done @!p0 $0x0  }
0xa5: {  	[sflag:s0] =	ssyncadd.s32 @!p0 s1  }
0xa6: {  	[bflag:$0x3] =	sbarrier.arrive $0xFFFF  }
0xa7: {  	_ =	shalt  }

// kernel: kernel.7.cloned.1.call-start
scs
__scs_entry_jumppad:
0x0: {  	(pc) =	sbr.rel $0x88, $3  }
0x1: {  	(tag) =	ssettag $0x0;
	lr =	simm.s32 $0x1  }
0x2: {  	[smem:$0x3F9A] =	sst lr;
	_ =	strace $0xD0000000  }
0x3: {  	_ = 	snop  }
0x4: {  	_ = 	snop  }
0x5: {  	_ = 	snop  }
0x6: {  	_ = 	snop  }
0x7: {  	_ = 	snop  }
__scs_overlays_trampoline_lowered:
0x8: {  	[smem:$0x3FA9] =	sst s0  }
0x9: {  	[smem:$0x3FAA] =	sst s1  }
0xa: {  	[smem:$0x3FAB] =	sst s2  }
0xb: {  	[smem:$0x3FAC] =	sst s3  }
0xc: {  	[smem:$0x3FAD] =	sst s4  }
0xd: {  	[smem:$0x3FAE] =	sst s5  }
0xe: {  	[smem:$0x3FAF] =	sst s6  }
0xf: {  	[smem:$0x3FB0] =	sst s7  }
0x10: {  	[smem:$0x3FB1] =	sst s8  }
0x11: {  	[smem:$0x3FB2] =	sst s9;
	s0 =	simm.s32 @!p0 $0x0  }
0x12: {  	s1 =	sld [smem:$0x3F98];
	s0 =	simm.s32 @p0 $0x1  }
0x13: {  	[smem:$0x3FB3] =	sst s0;
	s0 =	simm.s32 @!p1 $0x0  }
0x14: {  	s2 =	sld [smem:$0x3F97];
	s0 =	simm.s32 @p1 $0x1  }
0x15: {  	[smem:$0x3FB4] =	sst s0;
	s0 =	simm.s32 @!p2 $0x0  }
0x16: {  	s3 =	sld [smem:$0x3FDB];
	s0 =	simm.s32 @p2 $0x1  }
0x17: {  	s4 =	simm.s32 $0x1BF5;
	[smem:$0x3FB6] =	sst s0  }
0x18: {  	s0 =	sld [smem:$0x3F99];
	_ =	swait.ge [sflag:s4], $0x0  }
0x19: {  	s7 =	sld [smem:$0x3F9A]  }
0x1a: {  	s8 =	sadd.s32 $0xFFFFE003, lr  }
0x1b: {  	s9 =	sadd.s32 $0xFFFFFEF7, lr;
	s5 =	simm.s32 $0xFFFFFFFF;
	p2 =	slt.u32 s8, $0xFFFFF086  }
0x1c: {  	p1 =	slt.u32 s9, $0xF7A;
	s5 =	simm.s32 @!p2 $0x0  }
0x1d: {  	s5 =	simm.s32 @p1 $0x1;
	p0 =	seq.s32 s7, s2  }
0x1e: {  	s7 =	smul.u32 @!p0 $0xF7A, s2;
	p2 =	seq.s32 @!p0 s5, $0x0  }
0x1f: {  	s9 =	smul.u32 $0xF7A, s1;
	s8 =	simm.s32 @!p0 $0x1BF5;
	p2 =	por !p2, p0  }
0x20: {  	[sflag:s8] =	ssyncset.s32 @!p0 $0xFFFFF086;
	s6 =	sadd.s32 @!p0 s3, s7;
	s7 =	simm.s32 @!p0 $0x108  }
0x21: {  	s3 =	sadd.s32 s3, s9;
	s6 =	sadd.s32 @!p0 $0x88, s6;
	s7 =	simm.s32 @p2 $0x1082  }
0x22: {  	[simem:s7], [sflag:s8] =	dma.local @!p0 [hbm:s6], $0xF7A  }
0x23: {  	s9 =	sor.u32 $0xD0000000, s2;
	s6 =	simm.s32 $0x108;
	_ =	swait.ge @!p0 [sflag:s8], $0x0  }
0x24: {  	s3 =	sadd.s32 $0x88, s3;
	s6 =	simm.s32 @!p1 $0x1082;
	[sflag:s4] =	ssyncset.s32 $0xFFFFF086  }
0x25: {  	[simem:s6], [sflag:s4] =	dma.local [hbm:s3], $0xF7A  }
0x26: {  	[smem:$0x3F9A] =	sst s1;
	(tag) =	ssettag s2;
	_ =	strace s9  }
0x27: {  	s1 =	sld [smem:$0x3FAA]  }
0x28: {  	s2 =	sld [smem:$0x3FAB]  }
0x29: {  	s4 =	sld [smem:$0x3FAD]  }
0x2a: {  	p0 =	seq.s32 s5, $0x0;
	s5 =	sld [smem:$0x3FAE]  }
0x2b: {  	s6 =	sld [smem:$0x3FAF]  }
0x2c: {  	s7 =	sld [smem:$0x3FB0]  }
0x2d: {  	s3 =	simm.s32 $0x108;
	s8 =	sld [smem:$0x3FB1]  }
0x2e: {  	s3 =	simm.s32 @!p0 $0x1082;
	s9 =	sld [smem:$0x3FB2]  }
0x2f: {  	lr =	sadd.s32 s0, s3;
	s0 =	sld [smem:$0x3FA9]  }
0x30: {  	s3 =	sld [smem:$0x3FAC]  }
0x31: {  	[smem:$0x3FB5] =	sst s10  }
0x32: {  	s10 =	sld [smem:$0x3FB3];
	_ =	sdelay $0x3  }
0x33: {  	p0 =	seq.s32 s10, $0x1;
	s10 =	sld [smem:$0x3FB5];
	_ =	sdelay $0x3  }
0x34: {  	[smem:$0x3FB5] =	sst s10  }
0x35: {  	s10 =	sld [smem:$0x3FB4];
	_ =	sdelay $0x3  }
0x36: {  	p1 =	seq.s32 s10, $0x1;
	s10 =	sld [smem:$0x3FB5];
	_ =	sdelay $0x3  }
0x37: {  	[smem:$0x3FB5] =	sst s10  }
0x38: {  	s10 =	sld [smem:$0x3FB6]  }
0x39: {  	_ = 	snop;
	(pc) =	sbr.ind lr, $3  }
0x3a: {  	_ = 	snop  }
0x3b: {  	_ = 	snop  }
0x3c: {  	p2 =	seq.s32 s10, $0x1;
	s10 =	sld [smem:$0x3FB5]  }
0x3d: {  	_ =	shalt  }
0x3e: {  	_ =	shalt  }
0x3f: {  	_ =	shalt  }
0x40: {  	_ =	shalt  }
0x41: {  	_ =	shalt  }
0x42: {  	_ =	shalt  }
0x43: {  	_ =	shalt  }
0x44: {  	_ =	shalt  }
0x45: {  	_ =	shalt  }
0x46: {  	_ =	shalt  }
0x47: {  	_ =	shalt  }
0x48: {  	_ =	shalt  }
0x49: {  	_ =	shalt  }
0x4a: {  	_ =	shalt  }
0x4b: {  	_ =	shalt  }
0x4c: {  	_ =	shalt  }
0x4d: {  	_ =	shalt  }
0x4e: {  	_ =	shalt  }
0x4f: {  	_ =	shalt  }
0x50: {  	_ =	shalt  }
0x51: {  	_ =	shalt  }
0x52: {  	_ =	shalt  }
0x53: {  	_ =	shalt  }
0x54: {  	_ =	shalt  }
0x55: {  	_ =	shalt  }
0x56: {  	_ =	shalt  }
0x57: {  	_ =	shalt  }
0x58: {  	_ =	shalt  }
0x59: {  	_ =	shalt  }
0x5a: {  	_ =	shalt  }
0x5b: {  	_ =	shalt  }
0x5c: {  	_ =	shalt  }
0x5d: {  	_ =	shalt  }
0x5e: {  	_ =	shalt  }
0x5f: {  	_ =	shalt  }
0x60: {  	_ =	shalt  }
0x61: {  	_ =	shalt  }
0x62: {  	_ =	shalt  }
0x63: {  	_ =	shalt  }
0x64: {  	_ =	shalt  }
0x65: {  	_ =	shalt  }
0x66: {  	_ =	shalt  }
0x67: {  	_ =	shalt  }
0x68: {  	_ =	shalt  }
0x69: {  	_ =	shalt  }
0x6a: {  	_ =	shalt  }
0x6b: {  	_ =	shalt  }
0x6c: {  	_ =	shalt  }
0x6d: {  	_ =	shalt  }
0x6e: {  	_ =	shalt  }
0x6f: {  	_ =	shalt  }
0x70: {  	_ =	shalt  }
0x71: {  	_ =	shalt  }
0x72: {  	_ =	shalt  }
0x73: {  	_ =	shalt  }
0x74: {  	_ =	shalt  }
0x75: {  	_ =	shalt  }
0x76: {  	_ =	shalt  }
0x77: {  	_ =	shalt  }
0x78: {  	_ =	shalt  }
0x79: {  	_ =	shalt  }
0x7a: {  	_ =	shalt  }
0x7b: {  	_ =	shalt  }
0x7c: {  	_ =	shalt  }
0x7d: {  	_ =	shalt  }
0x7e: {  	_ =	shalt  }
0x7f: {  	_ =	shalt  }
0x80: {  	_ =	shalt  }
0x81: {  	_ =	shalt  }
0x82: {  	_ =	shalt  }
0x83: {  	_ =	shalt  }
0x84: {  	_ =	shalt  }
0x85: {  	_ =	shalt  }
0x86: {  	_ =	shalt  }
0x87: {  	_ =	shalt  }
.Lfunc_end0:
.L_simem_size_0:
called_computation_lowered:
.L_overlay_start_0:
0x88: {  	s2 =	sld [smem:$0x3FD9]  }
0x89: {  	s3 =	sld [smem:$0x3FFE];
	_ =	sdelay $0x1  }
0x8a: {  	s1 =	srdreg.scid  }
0x8b: {  	s0 =	sand.u32 $0x1, s1  }
0x8c: {  	s17 =	sshll.u32 s0, $0xA;
	s2 =	sadd.s32 s3, s2  }
0x8d: {  	s2 =	sadd.s32 s2, s17  }
0x8e: {  	[smem:$0x3FC1] =	sst s2  }
0x8f: {  	_ = 	snop  }
0x90: {  	s2 =	sld [smem:$0x3FD0];
	(tm) =	ssettm $0x1  }
0x91: {  	s18 =	sld [smem:$0x3FFB];
	_ =	sdelay $0x3  }
0x92: {  	_ =	strace s18  }
0x93: {  	s3 =	sld [smem:$0x3FFC];
	_ =	sdelay $0x3  }
0x94: {  	_ =	strace s3  }
0x95: {  	s3 =	sld [smem:$0x3FFD];
	_ =	sdelay $0x3  }
0x96: {  	_ =	strace s3  }
0x97: {  	_ =	strace $0x8FFFFFFF  }
0x98: {  	s19 =	sld [smem:$0x3FDB];
	_ =	sdelay $0x1  }
0x99: {  	s4 =	simm.s32 $_scs_section_size  }
0x9a: {  	s5 =	simm.s32 $_size__tile_overlayer_lowered;
	s6 =	simm.s32 $_tile_overlayer_lowered  }
0x9b: {  	s22 =	simm.s32 $0x1BFF;
	s21 =	sshll.u32 s6, $0x1;
	s3 =	sadd.s32 s4, s19  }
0x9c: {  	s7 =	simm.s32 $0x0;
	s20 =	sshll.u32 s5, $0x1;
	s5 =	sadd.s32 s21, s3  }
0x9d: {  	[timem:s7], [sflag:s22] =	dma.local [hbm:s5], s20  }
0x9e: {  	_ =	swait.ge [sflag:s22], s20  }
0x9f: {  	s4 =	ssub.s32 $0x0, s20;
	[sflag:s22] =	ssyncset.done $0x0  }
0xa0: {  	[sflag:s22] =	ssyncadd.s32 s4;
	_ =	sdelay $0x1  }
0xa1: {  	s23 =	simm.s32 $0x1B8B  }
0xa2: {  	_ =	swait.ge [sflag:s23], $0x1  }
0xa3: {  	[sflag:s23] =	ssyncset.done $0x0  }
0xa4: {  	s25 =	simm.s32 $0x1B8E;
	s24 =	sld [smem:$0x3FFE];
	[sflag:s23] =	ssyncadd.s32 $0xFFFFFFFF  }
0xa5: {  	s26 =	simm.s32 $execute0_lowered;
	[smem:$0x3FD2] =	sst s25  }
0xa6: {  	s5 =	sshll.u32 s26, $0x1;
	_ =	strace $0x80000046;
	[dreg:$0x1] =	wrdreg $0xFFFFFFFF  }
0xa7: {  	s28 =	simm.s32 $_size_execute0_lowered;
	s3 =	sadd.s32 s3, s5;
	[dreg:$0x0] =	wrdreg $0x0  }
0xa8: {  	s5 =	sshll.u32 s28, $0x1;
	[dreg:$0x2] =	wrdreg s3  }
0xa9: {  	[dreg:$0x3] =	wrdreg s5  }
0xaa: {  	[dreg:$0x4] =	wrdreg $0xC0  }
0xab: {  	_ =	task [dreg:s7], $0x5FFFF  }
0xac: {  	[dreg:$0x1] =	wrdreg $0xFFFFFFFF  }
0xad: {  	[dreg:$0x0] =	wrdreg $0x60  }
0xae: {  	[dreg:$0x2] =	wrdreg s2  }
0xaf: {  	[dreg:$0x3] =	wrdreg s24  }
0xb0: {  	[dreg:$0x4] =	wrdreg $0x9  }
0xb1: {  	_ =	task.clear_ibuf [dreg:s7], $0x5FFFF;
	_ =	strace $0x90000046  }
0xb2: {  	s29 =	simm.s32 $0x9;
	_ =	strace $0x80000048  }
0xb3: {  	_ =	swait.ge [sflag:s29], $0x1  }
0xb4: {  	[sflag:s29] =	ssyncadd.s32 $0xFFFFFFFF  }
0xb5: {  	_ =	strace $0x90000048  }
0xb6: {  	_ =	sfence  }
0xb7: {  	s30 =	sld [smem:$0x0];
	_ =	sdelay $0x2  }
0xb8: {  	s31 =	sshll.u32 s1, $0xD;
	s1 =	sshrl.u32 s1, $0x2  }
0xb9: {  	s3 =	sand.u32 $0x4000, s31;
	s1 =	sadd.s32 s1, s30  }
0xba: {  	s0 =	sor.u32 s3, s0;
	s1 =	sshll.u32 s1, $0x11  }
0xbb: {  	s0 =	sor.u32 s1, s0  }
0xbc: {  	s0 =	sadd.s32 $0x8F2B, s0  }
0xbd: {  	[sflag:s0] =	ssyncadd.remote.s32 $0x1  }
0xbe: {  	_ =	sfence.sel $0xFFFF  }
0xbf: {  	[dreg:$0x0] =	wrdreg $0xFFFFFFFF;
	(pc) =	sbr.abs _section_cstart, $3  }
0xc0: {  	[dreg:$0x1] =	wrdreg $0xFFFFFFFF  }
0xc1: {  	_ =	task.clear_ibuf [dreg:s7], $0x2FFFF;
	_ =	strace $0x9FFFFFFF  }
0xc2: {  	(tm) =	ssettm $0x7FFFFFFF  }
0xc3: {  	_ =	shalt  }
tec
execute0_lowered:
.L_overlay_start_1:
0x0: {  	(tag) =	ssettag $0x1  }
0x1: {  	s1 =	srdreg.scid;
	s0 =	stileid.u32  }
0x2: {  	s23 =	sand.u32 $0x1, s1;
	s26 =	sshll.u32 s0, $0x1  }
0x3: {  	s22 =	rddreg [dreg:$0x0];
	s9 =	sor.u32 s23, s26  }
0x4: {  	s10 =	rddreg [dreg:$0x1];
	s24 =	smul.u32 $0xD00, s9  }
0x5: {  	s2 =	simm.s32 $0x0;
	s1 =	rddreg [dreg:$0x2]  }
0x6: {  	[smem:$0x7FF] =	sst s2;
	s3 =	sshrl.u32 s24, $0x3  }
0x7: {  	_ =	strace $0x80000047;
	s4 =	sadd.s32 s22, s3;
	s3 =	simm.s32 $0x2  }
0x8: {  	[tilespmem:s2], [sflag:$0x2] =	stream.linear.gather [hbm4b:s4+s2], $0x1A0, $0x38;
	[tilespmem:$0xD200] =	vst v63  }
0x9: {  	_ =	swait.ge [sflag:s3], $0x1A0  }
0xa: {  	s6 =	simm.s32 $0x1A0;
	s7 =	simm.s32 $0x200;
	[sflag:s3] =	ssyncset.done $0x0  }
0xb: {  	s8 =	simm.s32 $0x1;
	s5 =	sadd.s32 $0x1000, s10;
	[sflag:s3] =	ssyncadd.s32 $0xFFFFFE60  }
0xc: {  	[tilespmem:s7], [sflag:$0x1] =	stream.indirect.gather [hbm4b:s5+s6], $0x80, s2, s6, $0xb8;
	[tilespmem:$0xD200] =	vst v63  }
0xd: {  	s9 =	smul.u32 $0xD000, s9;
	_ =	swait.ge [sflag:s8], $0xD000  }
0xe: {  	s25 =	sadd.s32 $0x191000, s10;
	[sflag:s8] =	ssyncset.done $0x0  }
0xf: {  	s9 =	sadd.s32 s25, s9;
	[sflag:s8] =	ssyncadd.s32 $0xFFFF3000  }
0x10: {  	[hbm4b:s9+s2] =	stream.linear.scatter [tilespmem:s7], [sflag:$0x2], $0xD000, $0x38;
	[tilespmem:$0xD200] =	vst v63  }
0x11: {  	s11 =	sadd.s32 $0x1A0, s24;
	_ =	swait.ge [sflag:s3], $0xD000  }
0x12: {  	s28 =	sshrl.u32 s11, $0x3;
	[sflag:s3] =	ssyncset.done $0x0  }
0x13: {  	s10 =	sadd.s32 s22, s28;
	[sflag:s3] =	ssyncadd.s32 $0xFFFF3000  }
0x14: {  	[tilespmem:s2], [sflag:$0x2] =	stream.linear.gather [hbm4b:s10+s2], $0x1A0, $0x38;
	[tilespmem:$0xD200] =	vst v63  }
0x15: {  	_ =	swait.ge [sflag:s3], $0x1A0  }
0x16: {  	[sflag:s3] =	ssyncset.done $0x0  }
0x17: {  	[sflag:s3] =	ssyncadd.s32 $0xFFFFFE60  }
0x18: {  	[tilespmem:s7], [sflag:$0x1] =	stream.indirect.gather [hbm4b:s5+s6], $0x80, s2, s6, $0xb8;
	[tilespmem:$0xD200] =	vst v63  }
0x19: {  	_ =	swait.ge [sflag:s8], $0xD000  }
0x1a: {  	s11 =	sshll.u32 s11, $0x4;
	[sflag:s8] =	ssyncset.done $0x0  }
0x1b: {  	s11 =	sadd.s32 s25, s11;
	[sflag:s8] =	ssyncadd.s32 $0xFFFF3000  }
0x1c: {  	[hbm4b:s11+s2] =	stream.linear.scatter [tilespmem:s7], [sflag:$0x2], $0xD000, $0x38;
	[tilespmem:$0xD200] =	vst v63  }
0x1d: {  	s13 =	sadd.s32 $0x340, s24;
	_ =	swait.ge [sflag:s3], $0xD000  }
0x1e: {  	s12 =	sshrl.u32 s13, $0x3;
	[sflag:s3] =	ssyncset.done $0x0  }
0x1f: {  	s12 =	sadd.s32 s22, s12;
	[sflag:s3] =	ssyncadd.s32 $0xFFFF3000  }
0x20: {  	[tilespmem:s2], [sflag:$0x2] =	stream.linear.gather [hbm4b:s12+s2], $0x1A0, $0x38;
	[tilespmem:$0xD200] =	vst v63  }
0x21: {  	_ =	swait.ge [sflag:s3], $0x1A0  }
0x22: {  	[sflag:s3] =	ssyncset.done $0x0  }
0x23: {  	[sflag:s3] =	ssyncadd.s32 $0xFFFFFE60  }
0x24: {  	[tilespmem:s7], [sflag:$0x1] =	stream.indirect.gather [hbm4b:s5+s6], $0x80, s2, s6, $0xb8;
	[tilespmem:$0xD200] =	vst v63  }
0x25: {  	_ =	swait.ge [sflag:s8], $0xD000  }
0x26: {  	s13 =	sshll.u32 s13, $0x4;
	[sflag:s8] =	ssyncset.done $0x0  }
0x27: {  	s13 =	sadd.s32 s25, s13;
	[sflag:s8] =	ssyncadd.s32 $0xFFFF3000  }
0x28: {  	[hbm4b:s13+s2] =	stream.linear.scatter [tilespmem:s7], [sflag:$0x2], $0xD000, $0x38;
	[tilespmem:$0xD200] =	vst v63  }
0x29: {  	s15 =	sadd.s32 $0x4E0, s24;
	_ =	swait.ge [sflag:s3], $0xD000  }
0x2a: {  	s14 =	sshrl.u32 s15, $0x3;
	[sflag:s3] =	ssyncset.done $0x0  }
0x2b: {  	s14 =	sadd.s32 s22, s14;
	[sflag:s3] =	ssyncadd.s32 $0xFFFF3000  }
0x2c: {  	[tilespmem:s2], [sflag:$0x2] =	stream.linear.gather [hbm4b:s14+s2], $0x1A0, $0x38;
	[tilespmem:$0xD200] =	vst v63  }
0x2d: {  	_ =	swait.ge [sflag:s3], $0x1A0  }
0x2e: {  	[sflag:s3] =	ssyncset.done $0x0  }
0x2f: {  	[sflag:s3] =	ssyncadd.s32 $0xFFFFFE60  }
0x30: {  	[tilespmem:s7], [sflag:$0x1] =	stream.indirect.gather [hbm4b:s5+s6], $0x80, s2, s6, $0xb8;
	[tilespmem:$0xD200] =	vst v63  }
0x31: {  	_ =	swait.ge [sflag:s8], $0xD000  }
0x32: {  	s15 =	sshll.u32 s15, $0x4;
	[sflag:s8] =	ssyncset.done $0x0  }
0x33: {  	s15 =	sadd.s32 s25, s15;
	[sflag:s8] =	ssyncadd.s32 $0xFFFF3000  }
0x34: {  	[hbm4b:s15+s2] =	stream.linear.scatter [tilespmem:s7], [sflag:$0x2], $0xD000, $0x38;
	[tilespmem:$0xD200] =	vst v63  }
0x35: {  	s17 =	sadd.s32 $0x680, s24;
	_ =	swait.ge [sflag:s3], $0xD000  }
0x36: {  	s16 =	sshrl.u32 s17, $0x3;
	[sflag:s3] =	ssyncset.done $0x0  }
0x37: {  	s16 =	sadd.s32 s22, s16;
	[sflag:s3] =	ssyncadd.s32 $0xFFFF3000  }
0x38: {  	[tilespmem:s2], [sflag:$0x2] =	stream.linear.gather [hbm4b:s16+s2], $0x1A0, $0x38;
	[tilespmem:$0xD200] =	vst v63  }
0x39: {  	_ =	swait.ge [sflag:s3], $0x1A0  }
0x3a: {  	[sflag:s3] =	ssyncset.done $0x0  }
0x3b: {  	[sflag:s3] =	ssyncadd.s32 $0xFFFFFE60  }
0x3c: {  	[tilespmem:s7], [sflag:$0x1] =	stream.indirect.gather [hbm4b:s5+s6], $0x80, s2, s6, $0xb8;
	[tilespmem:$0xD200] =	vst v63  }
0x3d: {  	_ =	swait.ge [sflag:s8], $0xD000  }
0x3e: {  	s17 =	sshll.u32 s17, $0x4;
	[sflag:s8] =	ssyncset.done $0x0  }
0x3f: {  	s17 =	sadd.s32 s25, s17;
	[sflag:s8] =	ssyncadd.s32 $0xFFFF3000  }
0x40: {  	[hbm4b:s17+s2] =	stream.linear.scatter [tilespmem:s7], [sflag:$0x2], $0xD000, $0x38;
	[tilespmem:$0xD200] =	vst v63  }
0x41: {  	s19 =	sadd.s32 $0x820, s24;
	_ =	swait.ge [sflag:s3], $0xD000  }
0x42: {  	s18 =	sshrl.u32 s19, $0x3;
	[sflag:s3] =	ssyncset.done $0x0  }
0x43: {  	s18 =	sadd.s32 s22, s18;
	[sflag:s3] =	ssyncadd.s32 $0xFFFF3000  }
0x44: {  	[tilespmem:s2], [sflag:$0x2] =	stream.linear.gather [hbm4b:s18+s2], $0x1A0, $0x38;
	[tilespmem:$0xD200] =	vst v63  }
0x45: {  	_ =	swait.ge [sflag:s3], $0x1A0  }
0x46: {  	[sflag:s3] =	ssyncset.done $0x0  }
0x47: {  	[sflag:s3] =	ssyncadd.s32 $0xFFFFFE60  }
0x48: {  	[tilespmem:s7], [sflag:$0x1] =	stream.indirect.gather [hbm4b:s5+s6], $0x80, s2, s6, $0xb8;
	[tilespmem:$0xD200] =	vst v63  }
0x49: {  	_ =	swait.ge [sflag:s8], $0xD000  }
0x4a: {  	s19 =	sshll.u32 s19, $0x4;
	[sflag:s8] =	ssyncset.done $0x0  }
0x4b: {  	s19 =	sadd.s32 s25, s19;
	[sflag:s8] =	ssyncadd.s32 $0xFFFF3000  }
0x4c: {  	[hbm4b:s19+s2] =	stream.linear.scatter [tilespmem:s7], [sflag:$0x2], $0xD000, $0x38;
	[tilespmem:$0xD200] =	vst v63  }
0x4d: {  	s21 =	sadd.s32 $0x9C0, s24;
	_ =	swait.ge [sflag:s3], $0xD000  }
0x4e: {  	s20 =	sshrl.u32 s21, $0x3;
	[sflag:s3] =	ssyncset.done $0x0  }
0x4f: {  	s20 =	sadd.s32 s22, s20;
	[sflag:s3] =	ssyncadd.s32 $0xFFFF3000  }
0x50: {  	[tilespmem:s2], [sflag:$0x2] =	stream.linear.gather [hbm4b:s20+s2], $0x1A0, $0x38;
	[tilespmem:$0xD200] =	vst v63  }
0x51: {  	_ =	swait.ge [sflag:s3], $0x1A0  }
0x52: {  	[sflag:s3] =	ssyncset.done $0x0  }
0x53: {  	[sflag:s3] =	ssyncadd.s32 $0xFFFFFE60  }
0x54: {  	[tilespmem:s7], [sflag:$0x1] =	stream.indirect.gather [hbm4b:s5+s6], $0x80, s2, s6, $0xb8;
	[tilespmem:$0xD200] =	vst v63  }
0x55: {  	_ =	swait.ge [sflag:s8], $0xD000  }
0x56: {  	s21 =	sshll.u32 s21, $0x4;
	[sflag:s8] =	ssyncset.done $0x0  }
0x57: {  	s21 =	sadd.s32 s25, s21;
	[sflag:s8] =	ssyncadd.s32 $0xFFFF3000  }
0x58: {  	[hbm4b:s21+s2] =	stream.linear.scatter [tilespmem:s7], [sflag:$0x2], $0xD000, $0x38;
	[tilespmem:$0xD200] =	vst v63  }
0x59: {  	s24 =	sadd.s32 $0xB60, s24;
	_ =	swait.ge [sflag:s3], $0xD000  }
0x5a: {  	s26 =	sshrl.u32 s24, $0x3;
	[sflag:s3] =	ssyncset.done $0x0  }
0x5b: {  	s23 =	ssub.s32 $0x2, s23;
	s22 =	sadd.s32 s22, s26;
	[sflag:s3] =	ssyncadd.s32 $0xFFFF3000  }
0x5c: {  	[tilespmem:s2], [sflag:$0x2] =	stream.linear.gather [hbm4b:s22+s2], $0x1A0, $0x38;
	[tilespmem:$0xD200] =	vst v63  }
0x5d: {  	s29 =	sshrl.u32 s23, $0x1;
	_ =	swait.ge [sflag:s3], $0x1A0  }
0x5e: {  	s26 =	ssub.s32 s23, s29;
	[sflag:s3] =	ssyncset.done $0x0  }
0x5f: {  	s31 =	smax.u32 s26, $0x1;
	[sflag:s3] =	ssyncadd.s32 $0xFFFFFE60  }
0x60: {  	[tilespmem:s7], [sflag:$0x1] =	stream.indirect.gather [hbm4b:s5+s6], $0x80, s2, s6, $0xb8;
	[tilespmem:$0xD200] =	vst v63  }
0x61: {  	p0 =	sne.s32 s31, $0x1;
	_ =	swait.ge [sflag:s8], $0xD000  }
.Ltmp0:
0x62: {  	s30 =	sshll.u32 s24, $0x4;
	[sflag:s8] =	ssyncset.done $0x0;
	(pc) =	sbr.rel @!p0 .LBB2_2-.Ltmp0, $4  }
0x63: {  	s23 =	sadd.s32 s25, s30;
	[sflag:s8] =	ssyncadd.s32 $0xFFFF3000  }
0x64: {  	[hbm4b:s23+s2] =	stream.linear.scatter [tilespmem:s7], [sflag:$0x2], $0xD000, $0x38;
	[tilespmem:$0xD200] =	vst v63  }
0x65: {  	_ =	swait.ge [sflag:s3], $0xD000  }
0x66: {  	s24 =	sadd.s32 $0xFFFFFFFF, s31;
	[sflag:s3] =	ssyncset.done $0x0  }
.LBB2_1:
0x67: {  	p0 =	sne.s32 s24, $0x1;
	s24 =	sadd.s32 $0xFFFFFFFF, s24;
	[sflag:s3] =	ssyncadd.s32 $0xFFFF3000  }
0x68: {  	[tilespmem:s2], [sflag:$0x2] =	stream.linear.gather [hbm4b:s4+s2], $0x1A0, $0x38;
	[tilespmem:$0xD200] =	vst v63  }
0x69: {  	_ =	swait.ge [sflag:s3], $0x1A0  }
0x6a: {  	[sflag:s3] =	ssyncset.done $0x0  }
0x6b: {  	[sflag:s3] =	ssyncadd.s32 $0xFFFFFE60  }
0x6c: {  	[tilespmem:s7], [sflag:$0x1] =	stream.indirect.gather [hbm4b:s5+s6], $0x80, s2, s6, $0xb8;
	[tilespmem:$0xD200] =	vst v63  }
0x6d: {  	_ =	swait.ge [sflag:s8], $0xD000  }
0x6e: {  	[sflag:s8] =	ssyncset.done $0x0  }
0x6f: {  	[sflag:s8] =	ssyncadd.s32 $0xFFFF3000  }
0x70: {  	[hbm4b:s9+s2] =	stream.linear.scatter [tilespmem:s7], [sflag:$0x2], $0xD000, $0x38;
	[tilespmem:$0xD200] =	vst v63  }
0x71: {  	_ =	swait.ge [sflag:s3], $0xD000  }
0x72: {  	[sflag:s3] =	ssyncset.done $0x0  }
0x73: {  	[sflag:s3] =	ssyncadd.s32 $0xFFFF3000  }
0x74: {  	[tilespmem:s2], [sflag:$0x2] =	stream.linear.gather [hbm4b:s10+s2], $0x1A0, $0x38;
	[tilespmem:$0xD200] =	vst v63  }
0x75: {  	_ =	swait.ge [sflag:s3], $0x1A0  }
0x76: {  	[sflag:s3] =	ssyncset.done $0x0  }
0x77: {  	[sflag:s3] =	ssyncadd.s32 $0xFFFFFE60  }
0x78: {  	[tilespmem:s7], [sflag:$0x1] =	stream.indirect.gather [hbm4b:s5+s6], $0x80, s2, s6, $0xb8;
	[tilespmem:$0xD200] =	vst v63  }
0x79: {  	_ =	swait.ge [sflag:s8], $0xD000  }
0x7a: {  	[sflag:s8] =	ssyncset.done $0x0  }
0x7b: {  	[sflag:s8] =	ssyncadd.s32 $0xFFFF3000  }
0x7c: {  	[hbm4b:s11+s2] =	stream.linear.scatter [tilespmem:s7], [sflag:$0x2], $0xD000, $0x38;
	[tilespmem:$0xD200] =	vst v63  }
0x7d: {  	_ =	swait.ge [sflag:s3], $0xD000  }
0x7e: {  	[sflag:s3] =	ssyncset.done $0x0  }
0x7f: {  	[sflag:s3] =	ssyncadd.s32 $0xFFFF3000  }
0x80: {  	[tilespmem:s2], [sflag:$0x2] =	stream.linear.gather [hbm4b:s12+s2], $0x1A0, $0x38;
	[tilespmem:$0xD200] =	vst v63  }
0x81: {  	_ =	swait.ge [sflag:s3], $0x1A0  }
0x82: {  	[sflag:s3] =	ssyncset.done $0x0  }
0x83: {  	[sflag:s3] =	ssyncadd.s32 $0xFFFFFE60  }
0x84: {  	[tilespmem:s7], [sflag:$0x1] =	stream.indirect.gather [hbm4b:s5+s6], $0x80, s2, s6, $0xb8;
	[tilespmem:$0xD200] =	vst v63  }
0x85: {  	_ =	swait.ge [sflag:s8], $0xD000  }
0x86: {  	[sflag:s8] =	ssyncset.done $0x0  }
0x87: {  	[sflag:s8] =	ssyncadd.s32 $0xFFFF3000  }
0x88: {  	[hbm4b:s13+s2] =	stream.linear.scatter [tilespmem:s7], [sflag:$0x2], $0xD000, $0x38;
	[tilespmem:$0xD200] =	vst v63  }
0x89: {  	_ =	swait.ge [sflag:s3], $0xD000  }
0x8a: {  	[sflag:s3] =	ssyncset.done $0x0  }
0x8b: {  	[sflag:s3] =	ssyncadd.s32 $0xFFFF3000  }
0x8c: {  	[tilespmem:s2], [sflag:$0x2] =	stream.linear.gather [hbm4b:s14+s2], $0x1A0, $0x38;
	[tilespmem:$0xD200] =	vst v63  }
0x8d: {  	_ =	swait.ge [sflag:s3], $0x1A0  }
0x8e: {  	[sflag:s3] =	ssyncset.done $0x0  }
0x8f: {  	[sflag:s3] =	ssyncadd.s32 $0xFFFFFE60  }
0x90: {  	[tilespmem:s7], [sflag:$0x1] =	stream.indirect.gather [hbm4b:s5+s6], $0x80, s2, s6, $0xb8;
	[tilespmem:$0xD200] =	vst v63  }
0x91: {  	_ =	swait.ge [sflag:s8], $0xD000  }
0x92: {  	[sflag:s8] =	ssyncset.done $0x0  }
0x93: {  	[sflag:s8] =	ssyncadd.s32 $0xFFFF3000  }
0x94: {  	[hbm4b:s15+s2] =	stream.linear.scatter [tilespmem:s7], [sflag:$0x2], $0xD000, $0x38;
	[tilespmem:$0xD200] =	vst v63  }
0x95: {  	_ =	swait.ge [sflag:s3], $0xD000  }
0x96: {  	[sflag:s3] =	ssyncset.done $0x0  }
0x97: {  	[sflag:s3] =	ssyncadd.s32 $0xFFFF3000  }
0x98: {  	[tilespmem:s2], [sflag:$0x2] =	stream.linear.gather [hbm4b:s16+s2], $0x1A0, $0x38;
	[tilespmem:$0xD200] =	vst v63  }
0x99: {  	_ =	swait.ge [sflag:s3], $0x1A0  }
0x9a: {  	[sflag:s3] =	ssyncset.done $0x0  }
0x9b: {  	[sflag:s3] =	ssyncadd.s32 $0xFFFFFE60  }
0x9c: {  	[tilespmem:s7], [sflag:$0x1] =	stream.indirect.gather [hbm4b:s5+s6], $0x80, s2, s6, $0xb8;
	[tilespmem:$0xD200] =	vst v63  }
0x9d: {  	_ =	swait.ge [sflag:s8], $0xD000  }
0x9e: {  	[sflag:s8] =	ssyncset.done $0x0  }
0x9f: {  	[sflag:s8] =	ssyncadd.s32 $0xFFFF3000  }
0xa0: {  	[hbm4b:s17+s2] =	stream.linear.scatter [tilespmem:s7], [sflag:$0x2], $0xD000, $0x38;
	[tilespmem:$0xD200] =	vst v63  }
0xa1: {  	_ =	swait.ge [sflag:s3], $0xD000  }
0xa2: {  	[sflag:s3] =	ssyncset.done $0x0  }
0xa3: {  	[sflag:s3] =	ssyncadd.s32 $0xFFFF3000  }
0xa4: {  	[tilespmem:s2], [sflag:$0x2] =	stream.linear.gather [hbm4b:s18+s2], $0x1A0, $0x38;
	[tilespmem:$0xD200] =	vst v63  }
0xa5: {  	_ =	swait.ge [sflag:s3], $0x1A0  }
0xa6: {  	[sflag:s3] =	ssyncset.done $0x0  }
0xa7: {  	[sflag:s3] =	ssyncadd.s32 $0xFFFFFE60  }
0xa8: {  	[tilespmem:s7], [sflag:$0x1] =	stream.indirect.gather [hbm4b:s5+s6], $0x80, s2, s6, $0xb8;
	[tilespmem:$0xD200] =	vst v63  }
0xa9: {  	_ =	swait.ge [sflag:s8], $0xD000  }
0xaa: {  	[sflag:s8] =	ssyncset.done $0x0  }
0xab: {  	[sflag:s8] =	ssyncadd.s32 $0xFFFF3000  }
0xac: {  	[hbm4b:s19+s2] =	stream.linear.scatter [tilespmem:s7], [sflag:$0x2], $0xD000, $0x38;
	[tilespmem:$0xD200] =	vst v63  }
0xad: {  	_ =	swait.ge [sflag:s3], $0xD000  }
0xae: {  	[sflag:s3] =	ssyncset.done $0x0  }
0xaf: {  	[sflag:s3] =	ssyncadd.s32 $0xFFFF3000  }
0xb0: {  	[tilespmem:s2], [sflag:$0x2] =	stream.linear.gather [hbm4b:s20+s2], $0x1A0, $0x38;
	[tilespmem:$0xD200] =	vst v63  }
0xb1: {  	_ =	swait.ge [sflag:s3], $0x1A0  }
0xb2: {  	[sflag:s3] =	ssyncset.done $0x0  }
0xb3: {  	[sflag:s3] =	ssyncadd.s32 $0xFFFFFE60  }
0xb4: {  	[tilespmem:s7], [sflag:$0x1] =	stream.indirect.gather [hbm4b:s5+s6], $0x80, s2, s6, $0xb8;
	[tilespmem:$0xD200] =	vst v63  }
0xb5: {  	_ =	swait.ge [sflag:s8], $0xD000  }
0xb6: {  	[sflag:s8] =	ssyncset.done $0x0  }
0xb7: {  	[sflag:s8] =	ssyncadd.s32 $0xFFFF3000  }
0xb8: {  	[hbm4b:s21+s2] =	stream.linear.scatter [tilespmem:s7], [sflag:$0x2], $0xD000, $0x38;
	[tilespmem:$0xD200] =	vst v63  }
0xb9: {  	_ =	swait.ge [sflag:s3], $0xD000  }
0xba: {  	[sflag:s3] =	ssyncset.done $0x0  }
0xbb: {  	[sflag:s3] =	ssyncadd.s32 $0xFFFF3000  }
0xbc: {  	[tilespmem:s2], [sflag:$0x2] =	stream.linear.gather [hbm4b:s22+s2], $0x1A0, $0x38;
	[tilespmem:$0xD200] =	vst v63  }
0xbd: {  	_ =	swait.ge [sflag:s3], $0x1A0  }
0xbe: {  	[sflag:s3] =	ssyncset.done $0x0  }
0xbf: {  	[sflag:s3] =	ssyncadd.s32 $0xFFFFFE60  }
0xc0: {  	[tilespmem:s7], [sflag:$0x1] =	stream.indirect.gather [hbm4b:s5+s6], $0x80, s2, s6, $0xb8;
	[tilespmem:$0xD200] =	vst v63  }
0xc1: {  	_ =	swait.ge [sflag:s8], $0xD000  }
.Ltmp1:
0xc2: {  	[sflag:s8] =	ssyncset.done $0x0;
	(pc) =	sbr.rel @p0 .LBB2_1-.Ltmp1, $4  }
0xc3: {  	[sflag:s8] =	ssyncadd.s32 $0xFFFF3000  }
0xc4: {  	[hbm4b:s23+s2] =	stream.linear.scatter [tilespmem:s7], [sflag:$0x2], $0xD000, $0x38;
	[tilespmem:$0xD200] =	vst v63  }
0xc5: {  	_ =	swait.ge [sflag:s3], $0xD000  }
0xc6: {  	[sflag:s3] =	ssyncset.done $0x0  }
.LBB2_2:
0xc7: {  	[sflag:s3] =	ssyncadd.s32 $0xFFFF3000  }
0xc8: {  	_ =	sfence.sel $0x180000  }
0xc9: {  	[bflag:$0x0] =	sbarrier.arrive $0xFFFF  }
0xca: {  	p0 =	sne.s32 s0, $0x0;
	_ =	strace $0x90000047  }
0xcb: {  	s0 =	sadd.s32 @!p0 $0x100000, s1;
	[bflag:$0x2] =	sbarrier.arrive $0xFFFF  }
0xcc: {  	[sflag:s0] =	ssyncadd.tile.s32 @!p0 $0x1;
	_ =	shalt  }
.Lfunc_end2:
_tile_overlayer_lowered:
.L_overlay_start_2:
0xcd: {  	(tag) =	ssettag $0x2  }
0xce: {  	s0 =	rddreg [dreg:$0x0];
	s2 =	stileid.u32  }
0xcf: {  	s1 =	rddreg [dreg:$0x1];
	p0 =	sne.s32 s2, $0x0  }
0xd0: {  	s3 =	rddreg [dreg:$0x2];
	[bflag:$0x3] =	sbarrier.arrive $0xFFFF;
	s2 =	simm.s32 @!p0 $0x1C02  }
0xd1: {  	[timem:s3], [sflag:s2] =	dma.local @!p0 [hbm:s0], s1  }
0xd2: {  	s0 =	simm.s32 @!p0 $0x2  }
0xd3: {  	_ =	swait.ge @!p0 [sflag:s0], s1  }
0xd4: {  	s1 =	ssub.s32 @!p0 $0x0, s1;
	[sflag:s0] =	ssyncset.done @!p0 $0x0  }
0xd5: {  	[sflag:s0] =	ssyncadd.s32 @!p0 s1  }
0xd6: {  	[bflag:$0x3] =	sbarrier.arrive $0xFFFF  }
0xd7: {  	_ =	shalt  }

</sc_bundles>
